<compile_context>
chip_gen: v7x
topology: tpu7x:2x2x1
jax: 0.10.2.dev20260603
libtpu: 0.0.44.dev20260713+nightly
codegen_flags: <defaults>
</compile_context>

<pallas_src>
import functools

import jax
import jax.numpy as jnp
from jax import lax
from jax.experimental import pallas as pl
from jax.experimental.pallas import tpu as pltpu
from jax.experimental.pallas import tpu_sc as plsc

N = 10000
D = 128
E = 320000
NC = 2
NS = 16
NW = NC * NS
EPT = E // NW
C = 80
NCHUNK = EPT // C
RPT = N // NS
DW = 128

RA = 624
RB = N - (NS - 1) * RA


def _par_copy(sid, src_ref, dst_ref):
    @pl.when(sid < NS - 1)
    def _():
        pltpu.sync_copy(src_ref.at[pl.ds(sid * RA, RA)],
                        dst_ref.at[pl.ds(sid * RA, RA)])

    @pl.when(sid == NS - 1)
    def _():
        pltpu.sync_copy(src_ref.at[pl.ds((NS - 1) * RA, RB)],
                        dst_ref.at[pl.ds((NS - 1) * RA, RB)])


@functools.lru_cache(maxsize=None)
def _sc_kernels():
    mesh = plsc.VectorSubcoreMesh(
        core_axis_name="c", subcore_axis_name="s",
        num_cores=NC, num_subcores=NS)

    @functools.partial(
        pl.kernel,
        out_type=jax.ShapeDtypeStruct((NC, N, DW), jnp.float32),
        mesh=mesh,
        scratch_types=[
            pltpu.VMEM((NCHUNK, C), jnp.int32),
            pltpu.VMEM((C, DW), jnp.float32),
            pltpu.VMEM_SHARED((N, DW), jnp.float32),
        ],
    )
    def deg_kernel(dst_hbm, ones_hbm, zeros_hbm, out_hbm, dst_v, ones_v, acc):
        cid = lax.axis_index("c")
        sid = lax.axis_index("s")
        wid = cid * NS + sid
        pltpu.sync_copy(dst_hbm.at[wid], dst_v)
        pltpu.sync_copy(ones_hbm, ones_v)
        _par_copy(sid, zeros_hbm, acc)
        plsc.subcore_barrier()

        @pl.loop(0, NCHUNK)
        def _(i):
            pltpu.sync_copy(ones_v, acc.at[dst_v.at[i]], add=True)

        plsc.subcore_barrier()
        _par_copy(sid, acc, out_hbm.at[cid])

    @functools.partial(
        pl.kernel,
        out_type=jax.ShapeDtypeStruct((NC, N, D), jnp.float32),
        mesh=mesh,
        scratch_types=[
            pltpu.VMEM((EPT,), jnp.int32),
            pltpu.VMEM((NCHUNK, C), jnp.int32),
            pltpu.VMEM((C, D), jnp.float32),
            pltpu.VMEM((C, D), jnp.float32),
            pltpu.VMEM_SHARED((N, D), jnp.float32),
            pltpu.SemaphoreType.DMA,
            pltpu.SemaphoreType.DMA,
        ],
    )
    def agg_kernel(src_hbm, dst_hbm, ys_hbm, zeros_hbm, out_hbm,
                   src_v, dst_v, buf0, buf1, acc, sem0, sem1):
        cid = lax.axis_index("c")
        sid = lax.axis_index("s")
        wid = cid * NS + sid
        pltpu.sync_copy(src_hbm.at[wid], src_v)
        pltpu.sync_copy(dst_hbm.at[wid], dst_v)
        _par_copy(sid, zeros_hbm, acc)
        plsc.subcore_barrier()

        def gather(i, buf, sem):
            pltpu.async_copy(ys_hbm.at[src_v.at[pl.ds(i * C, C)]], buf, sem)

        def gwait(buf, sem):
            pltpu.make_async_copy(ys_hbm.at[src_v.at[pl.ds(0, C)]],
                                  buf, sem).wait()

        gather(0, buf0, sem0)

        @pl.loop(0, NCHUNK - 1, step=2)
        def _(i):
            gather(i + 1, buf1, sem1)
            gwait(buf0, sem0)
            pltpu.sync_copy(buf0, acc.at[dst_v.at[i]], add=True)
            gather(i + 2, buf0, sem0)
            gwait(buf1, sem1)
            pltpu.sync_copy(buf1, acc.at[dst_v.at[i + 1]], add=True)

        gwait(buf0, sem0)
        pltpu.sync_copy(buf0, acc.at[dst_v.at[NCHUNK - 1]], add=True)

        plsc.subcore_barrier()
        _par_copy(sid, acc, out_hbm.at[cid])

    return deg_kernel, agg_kernel


BLK = 400
GRID = N // BLK


def _deg_dis(degp):
    deg = degp[0, :, 0] + degp[1, :, 0] + 1.0
    dis = lax.rsqrt(deg)
    return deg, dis


def _tcmm_body(x_ref, w_ref, xw_ref):
    xw_ref[...] = jnp.dot(x_ref[...], w_ref[...],
                          preferred_element_type=jnp.float32)


def _tc1_body(degp_ref, xw_ref, b_ref, ys_ref, t_ref):
    deg, dis = _deg_dis(degp_ref[...])
    xw = xw_ref[...]
    ys_ref[...] = xw * dis[:, None]
    t_ref[...] = xw * (1.0 / deg)[:, None] + b_ref[...]


def _tc2_body(aggp_ref, degp_ref, t_ref, w_ref, b_ref, ys_ref, t2_ref):
    deg, dis = _deg_dis(degp_ref[...])
    a = aggp_ref[...]
    h = jax.nn.relu((a[0] + a[1]) * dis[:, None] + t_ref[...])
    xw = jnp.dot(h, w_ref[...], preferred_element_type=jnp.float32)
    ys_ref[...] = xw * dis[:, None]
    t2_ref[...] = xw * (1.0 / deg)[:, None] + b_ref[...]


def _tc3_body(aggp_ref, degp_ref, t_ref, act_ref, fa_ref, fb_ref, f1b_ref,
              f2w_ref, f2b_ref, q_ref):
    _, dis = _deg_dis(degp_ref[...])
    a = aggp_ref[...]
    h2 = jax.nn.relu((a[0] + a[1]) * dis[:, None] + t_ref[...])
    hc = (jnp.dot(h2, fa_ref[...], preferred_element_type=jnp.float32)
          + jnp.dot(act_ref[...], fb_ref[...],
                    preferred_element_type=jnp.float32)
          + f1b_ref[...])
    h3 = jax.nn.relu(hc)
    q_ref[...] = (jnp.sum(h3 * f2w_ref[...], axis=1) + f2b_ref[0, 0])[:, None]


def _degp_spec():
    return pl.BlockSpec((NC, BLK, DW), lambda i: (0, i, 0))


def _row_spec(w=D):
    return pl.BlockSpec((BLK, w), lambda i: (i, 0))


def _full_spec(r, c):
    return pl.BlockSpec((r, c), lambda i: (0, 0))


_tcmm = pl.pallas_call(
    _tcmm_body,
    grid=(GRID,),
    in_specs=[_row_spec(), _full_spec(D, D)],
    out_specs=_row_spec(),
    out_shape=jax.ShapeDtypeStruct((N, D), jnp.float32),
)

_tc1 = pl.pallas_call(
    _tc1_body,
    grid=(GRID,),
    in_specs=[_degp_spec(), _row_spec(), _full_spec(1, D)],
    out_specs=[_row_spec(), _row_spec()],
    out_shape=[jax.ShapeDtypeStruct((N, D), jnp.float32)] * 2,
)

_tc2 = pl.pallas_call(
    _tc2_body,
    grid=(GRID,),
    in_specs=[
        pl.BlockSpec((NC, BLK, D), lambda i: (0, i, 0)),
        _degp_spec(), _row_spec(), _full_spec(D, D), _full_spec(1, D),
    ],
    out_specs=[_row_spec(), _row_spec()],
    out_shape=[jax.ShapeDtypeStruct((N, D), jnp.float32)] * 2,
)

_tc3 = pl.pallas_call(
    _tc3_body,
    grid=(GRID,),
    in_specs=[
        pl.BlockSpec((NC, BLK, D), lambda i: (0, i, 0)),
        _degp_spec(), _row_spec(), _row_spec(16),
        _full_spec(D, D), _full_spec(16, D), _full_spec(1, D),
        _full_spec(1, D), _full_spec(1, 1),
    ],
    out_specs=pl.BlockSpec((BLK, 1), lambda i: (i, 0)),
    out_shape=jax.ShapeDtypeStruct((N, 1), jnp.float32),
)


def kernel(x, edge_index, action, W1, b1, W2, b2, fc1_W, fc1_b, fc2_W, fc2_b):
    src = edge_index[0].reshape(NW, EPT)
    dst = edge_index[1].reshape(NW, NCHUNK, C)
    ones8 = jnp.ones((C, DW), jnp.float32)
    zeros8 = jnp.zeros((N, DW), jnp.float32)
    zerosD = jnp.zeros((N, D), jnp.float32)

    deg_kernel, agg_kernel = _sc_kernels()
    degp = deg_kernel(dst, ones8, zeros8)
    xw1 = _tcmm(x, W1)
    ys1, t1 = _tc1(degp, xw1, b1.reshape(1, D))
    aggp1 = agg_kernel(src, dst, ys1, zerosD)
    ys2, t2 = _tc2(aggp1, degp, t1, W2, b2.reshape(1, D))
    aggp2 = agg_kernel(src, dst, ys2, zerosD)
    q = _tc3(aggp2, degp, t2, action, fc1_W[:D], fc1_W[D:],
             fc1_b.reshape(1, D), fc2_W.reshape(1, D), fc2_b.reshape(1, 1))
    return q.reshape(N)

# --- scband reference (transcript-rebuilt; emitter-appended) ---
"""Pipeline reference for scband-gcnqcritic-91233695301735 (READ-ONLY COPY).

The authoritative reference and input builder live on the scoring server;
editing this copy changes nothing except your own understanding.
"""

import jax, jax.numpy as jnp
import numpy as np

N_NODES = 10000
D_FEAT = 128
HIDDEN = 128
ACTION_DIM = 16
N_EDGES = 320000


def setup_inputs(seed: int = 0) -> dict:
    key = jax.random.key(seed)
    ks = jax.random.split(key, 12)
    x = jax.random.normal(ks[0], (N_NODES, D_FEAT), dtype=jnp.float32)
    edge_index = jax.random.randint(ks[1], (2, N_EDGES), 0, N_NODES, dtype=jnp.int64 if jax.config.jax_enable_x64 else jnp.int32).astype(jnp.int32)
    action = jax.random.normal(ks[2], (N_NODES, ACTION_DIM), dtype=jnp.float32)
    def glorot(k, shape):
        fan_in, fan_out = shape[0], shape[1]
        lim = (6.0 / (fan_in + fan_out)) ** 0.5
        return jax.random.uniform(k, shape, dtype=jnp.float32, minval=-lim, maxval=lim)
    W1 = glorot(ks[3], (D_FEAT, HIDDEN))
    b1 = jnp.zeros((HIDDEN,), dtype=jnp.float32)
    W2 = glorot(ks[4], (HIDDEN, HIDDEN))
    b2 = jnp.zeros((HIDDEN,), dtype=jnp.float32)
    fc1_W = glorot(ks[5], (HIDDEN + ACTION_DIM, HIDDEN))
    fc1_b = jnp.zeros((HIDDEN,), dtype=jnp.float32)
    fc2_W = glorot(ks[6], (HIDDEN, 1))
    fc2_b = jnp.zeros((1,), dtype=jnp.float32)
    return {"x": x, "edge_index": edge_index, "action": action,
            "W1": W1, "b1": b1, "W2": W2, "b2": b2,
            "fc1_W": fc1_W, "fc1_b": fc1_b, "fc2_W": fc2_W, "fc2_b": fc2_b}


def gcn_conv(x, edge_index, W, b, n_nodes):
    # PyG GCNConv semantics: add self-loops, symmetric normalization,
    # out = D^{-1/2} (A + I) D^{-1/2} (x @ W) + b
    src = edge_index[0]
    dst = edge_index[1]
    loop = jnp.arange(n_nodes, dtype=src.dtype)
    src = jnp.concatenate([src, loop])
    dst = jnp.concatenate([dst, loop])
    deg = jnp.zeros((n_nodes,), dtype=x.dtype).at[dst].add(1.0)
    deg_inv_sqrt = jnp.where(deg > 0, deg ** -0.5, 0.0)
    norm = deg_inv_sqrt[src] * deg_inv_sqrt[dst]
    xw = x @ W
    msg = xw[src] * norm[:, None]
    out = jnp.zeros((n_nodes, W.shape[1]), dtype=x.dtype).at[dst].add(msg)
    return out + b


def reference(x, edge_index, action, W1, b1, W2, b2, fc1_W, fc1_b, fc2_W, fc2_b):
    n = x.shape[0]
    h = jax.nn.relu(gcn_conv(x, edge_index, W1, b1, n))
    h = jax.nn.relu(gcn_conv(h, edge_index, W2, b2, n))
    h = jnp.concatenate([h, action], axis=-1)
    h = jax.nn.relu(h @ fc1_W + fc1_b)
    q = h @ fc2_W + fc2_b
    return q.squeeze(-1)

if __name__ == "__main__":
    import jax
    _d = setup_inputs()
    print(jax.jit(kernel)(*tuple(_d.values())))

</pallas_src>

<mosaic_0001>
#map = affine_map<(d0, d1) -> (0, 0, 0)>
#map1 = affine_map<(d0, d1) -> (0, 0)>
module attributes {stable_mosaic.version = 14 : i64} {
  func.func @deg_kernel(%arg0: i32, %arg1: i32, %arg2: memref<32x125x80xi32, #tpu.memory_space<hbm>>, %arg3: memref<80x128xf32, #tpu.memory_space<hbm>>, %arg4: memref<10000x128xf32, #tpu.memory_space<hbm>>, %arg5: memref<2x10000x128xf32, #tpu.memory_space<hbm>>, %arg6: memref<125x80xi32, #tpu.memory_space<vmem>>, %arg7: memref<80x128xf32, #tpu.memory_space<vmem>>, %arg8: memref<10000x128xf32, #tpu.memory_space<vmem_shared>>) attributes {dimension_semantics = [#tpu.dimension_semantics<core_parallel>, #tpu.dimension_semantics<subcore_parallel>], iteration_bounds = array<i64: 2, 16>, scalar_prefetch = 0 : i64, scratch_operands = 3 : i64, tpu.core_type = #tpu.core_type<sc_vector_subcore>, window_params = [{transform_indices = #map}, {transform_indices = #map1}, {transform_indices = #map1}, {transform_indices = #map}]} {
    %mul3A = arith.constant 16 : i32
    %mul3A_0 = arith.muli %arg0, %mul3A : i32
    %add3A = arith.addi %mul3A_0, %arg1 : i32
    "tpu.region"() ({
      %run_scoped3A = tpu.sem_alloc : memref<!tpu.dma_semaphore, #tpu.memory_space<semaphore_mem>>
      %dma_start3A = arith.constant 0 : i32
      %dma_start3A_22 = arith.constant 0 : i32
      %dma_start3A_23 = tpu.memref_slice %arg2[%add3A, %dma_start3A, %dma_start3A_22] : memref<32x125x80xi32, #tpu.memory_space<hbm>> -> memref<1x125x80xi32, #tpu.memory_space<hbm>>
      %dma_start3A_24 = tpu.memref_squeeze %dma_start3A_23 : memref<1x125x80xi32, #tpu.memory_space<hbm>> -> memref<125x80xi32, #tpu.memory_space<hbm>>
      %dma_start3A_25 = arith.constant 0 : i32
      %dma_start3A_26 = arith.constant 0 : i32
      %dma_start3A_27 = tpu.memref_slice %arg2[%add3A, %dma_start3A_25, %dma_start3A_26] : memref<32x125x80xi32, #tpu.memory_space<hbm>> -> memref<1x125x80xi32, #tpu.memory_space<hbm>>
      %dma_start3A_28 = tpu.memref_squeeze %dma_start3A_27 : memref<1x125x80xi32, #tpu.memory_space<hbm>> -> memref<125x80xi32, #tpu.memory_space<hbm>>
      tpu.enqueue_dma source(%dma_start3A_28 : memref<125x80xi32, #tpu.memory_space<hbm>>) target(%arg6 : memref<125x80xi32, #tpu.memory_space<vmem>>) target_semaphore(%run_scoped3A : memref<!tpu.dma_semaphore, #tpu.memory_space<semaphore_mem>>)
      %dma_wait3A = arith.constant 0 : i32
      %dma_wait3A_29 = arith.constant 0 : i32
      %dma_wait3A_30 = tpu.memref_slice %arg2[%add3A, %dma_wait3A, %dma_wait3A_29] : memref<32x125x80xi32, #tpu.memory_space<hbm>> -> memref<1x125x80xi32, #tpu.memory_space<hbm>>
      %dma_wait3A_31 = tpu.memref_squeeze %dma_wait3A_30 : memref<1x125x80xi32, #tpu.memory_space<hbm>> -> memref<125x80xi32, #tpu.memory_space<hbm>>
      %dma_wait3A_32 = arith.constant 0 : i32
      %dma_wait3A_33 = arith.constant 0 : i32
      %dma_wait3A_34 = tpu.memref_slice %arg2[%add3A, %dma_wait3A_32, %dma_wait3A_33] : memref<32x125x80xi32, #tpu.memory_space<hbm>> -> memref<1x125x80xi32, #tpu.memory_space<hbm>>
      %dma_wait3A_35 = tpu.memref_squeeze %dma_wait3A_34 : memref<1x125x80xi32, #tpu.memory_space<hbm>> -> memref<125x80xi32, #tpu.memory_space<hbm>>
      tpu.wait_dma2 semaphore(%run_scoped3A : memref<!tpu.dma_semaphore, #tpu.memory_space<semaphore_mem>>) src(%dma_wait3A_35 : memref<125x80xi32, #tpu.memory_space<hbm>>) dst(%arg6 : memref<125x80xi32, #tpu.memory_space<vmem>>)
      tpu.yield
    }) : () -> ()
    "tpu.region"() ({
      %run_scoped3A = tpu.sem_alloc : memref<!tpu.dma_semaphore, #tpu.memory_space<semaphore_mem>>
      tpu.enqueue_dma source(%arg3 : memref<80x128xf32, #tpu.memory_space<hbm>>) target(%arg7 : memref<80x128xf32, #tpu.memory_space<vmem>>) target_semaphore(%run_scoped3A : memref<!tpu.dma_semaphore, #tpu.memory_space<semaphore_mem>>)
      tpu.wait_dma2 semaphore(%run_scoped3A : memref<!tpu.dma_semaphore, #tpu.memory_space<semaphore_mem>>) src(%arg3 : memref<80x128xf32, #tpu.memory_space<hbm>>) dst(%arg7 : memref<80x128xf32, #tpu.memory_space<vmem>>)
      tpu.yield
    }) : () -> ()
    %lt3A = arith.constant 15 : i32
    %lt3A_1 = arith.cmpi slt, %arg1, %lt3A : i32
    %convert_element_type3A = arith.extui %lt3A_1 : i1 to i32
    %cond3A = arith.constant 0 : i32
    %cond3A_2 = arith.cmpi ne, %convert_element_type3A, %cond3A : i32
    scf.if %cond3A_2 {
      %mul3A_22 = arith.constant 624 : i32
      %mul3A_23 = arith.muli %arg1, %mul3A_22 : i32
      %mul3A_24 = arith.constant 624 : i32
      %mul3A_25 = arith.muli %arg1, %mul3A_24 : i32
      "tpu.region"() ({
        %run_scoped3A = tpu.sem_alloc : memref<!tpu.dma_semaphore, #tpu.memory_space<semaphore_mem>>
        %dma_start3A = arith.constant 0 : i32
        %dma_start3A_26 = tpu.memref_slice %arg8[%mul3A_25, %dma_start3A] : memref<10000x128xf32, #tpu.memory_space<vmem_shared>> -> memref<624x128xf32, #tpu.memory_space<vmem_shared>>
        %dma_start3A_27 = arith.constant 0 : i32
        %dma_start3A_28 = tpu.memref_slice %arg4[%mul3A_23, %dma_start3A_27] : memref<10000x128xf32, #tpu.memory_space<hbm>> -> memref<624x128xf32, #tpu.memory_space<hbm>>
        tpu.enqueue_dma source(%dma_start3A_28 : memref<624x128xf32, #tpu.memory_space<hbm>>) target(%dma_start3A_26 : memref<624x128xf32, #tpu.memory_space<vmem_shared>>) target_semaphore(%run_scoped3A : memref<!tpu.dma_semaphore, #tpu.memory_space<semaphore_mem>>)
        %dma_wait3A = arith.constant 0 : i32
        %dma_wait3A_29 = tpu.memref_slice %arg8[%mul3A_25, %dma_wait3A] : memref<10000x128xf32, #tpu.memory_space<vmem_shared>> -> memref<624x128xf32, #tpu.memory_space<vmem_shared>>
        %dma_wait3A_30 = arith.constant 0 : i32
        %dma_wait3A_31 = tpu.memref_slice %arg4[%mul3A_23, %dma_wait3A_30] : memref<10000x128xf32, #tpu.memory_space<hbm>> -> memref<624x128xf32, #tpu.memory_space<hbm>>
        tpu.wait_dma2 semaphore(%run_scoped3A : memref<!tpu.dma_semaphore, #tpu.memory_space<semaphore_mem>>) src(%dma_wait3A_31 : memref<624x128xf32, #tpu.memory_space<hbm>>) dst(%dma_wait3A_29 : memref<624x128xf32, #tpu.memory_space<vmem_shared>>)
        tpu.yield
      }) : () -> ()
    } else {
    }
    %eq3A = arith.constant 15 : i32
    %eq3A_3 = arith.cmpi eq, %arg1, %eq3A : i32
    %convert_element_type3A_4 = arith.extui %eq3A_3 : i1 to i32
    %cond3A_5 = arith.constant 0 : i32
    %cond3A_6 = arith.cmpi ne, %convert_element_type3A_4, %cond3A_5 : i32
    scf.if %cond3A_6 {
      "tpu.region"() ({
        %run_scoped3A = tpu.sem_alloc : memref<!tpu.dma_semaphore, #tpu.memory_space<semaphore_mem>>
        %dma_start3A = arith.constant 9360 : i32
        %dma_start3A_22 = arith.constant 0 : i32
        %dma_start3A_23 = tpu.memref_slice %arg8[%dma_start3A, %dma_start3A_22] : memref<10000x128xf32, #tpu.memory_space<vmem_shared>> -> memref<640x128xf32, #tpu.memory_space<vmem_shared>>
        %dma_start3A_24 = arith.constant 9360 : i32
        %dma_start3A_25 = arith.constant 0 : i32
        %dma_start3A_26 = tpu.memref_slice %arg4[%dma_start3A_24, %dma_start3A_25] : memref<10000x128xf32, #tpu.memory_space<hbm>> -> memref<640x128xf32, #tpu.memory_space<hbm>>
        tpu.enqueue_dma source(%dma_start3A_26 : memref<640x128xf32, #tpu.memory_space<hbm>>) target(%dma_start3A_23 : memref<640x128xf32, #tpu.memory_space<vmem_shared>>) target_semaphore(%run_scoped3A : memref<!tpu.dma_semaphore, #tpu.memory_space<semaphore_mem>>)
        %dma_wait3A = arith.constant 9360 : i32
        %dma_wait3A_27 = arith.constant 0 : i32
        %dma_wait3A_28 = tpu.memref_slice %arg8[%dma_wait3A, %dma_wait3A_27] : memref<10000x128xf32, #tpu.memory_space<vmem_shared>> -> memref<640x128xf32, #tpu.memory_space<vmem_shared>>
        %dma_wait3A_29 = arith.constant 9360 : i32
        %dma_wait3A_30 = arith.constant 0 : i32
        %dma_wait3A_31 = tpu.memref_slice %arg4[%dma_wait3A_29, %dma_wait3A_30] : memref<10000x128xf32, #tpu.memory_space<hbm>> -> memref<640x128xf32, #tpu.memory_space<hbm>>
        tpu.wait_dma2 semaphore(%run_scoped3A : memref<!tpu.dma_semaphore, #tpu.memory_space<semaphore_mem>>) src(%dma_wait3A_31 : memref<640x128xf32, #tpu.memory_space<hbm>>) dst(%dma_wait3A_28 : memref<640x128xf32, #tpu.memory_space<vmem_shared>>)
        tpu.yield
      }) : () -> ()
    } else {
    }
    %barrier3A = arith.constant 0 : index
    tpu.barrier barrier_id(%barrier3A)
    %scan3A = arith.constant 0 : i32
    %scan3A_7 = arith.constant 125 : i32
    %scan3A_8 = arith.addi %scan3A, %scan3A_7 : i32
    %scan3A_9 = arith.constant 1 : i32
    scf.for %scan3A_22 = %scan3A to %scan3A_8 step %scan3A_9  : i32 {
      %mul3A_23 = arith.constant 1 : i32
      %mul3A_24 = arith.muli %scan3A_22, %mul3A_23 : i32
      %add3A_25 = arith.constant 0 : i32
      %add3A_26 = arith.addi %add3A_25, %mul3A_24 : i32
      "tpu.region"() ({
        %run_scoped3A = tpu.sem_alloc : memref<!tpu.dma_semaphore, #tpu.memory_space<semaphore_mem>>
        %dma_start3A = arith.constant 0 : i32
        %dma_start3A_27 = tpu.memref_slice %arg6[%add3A_26, %dma_start3A] : memref<125x80xi32, #tpu.memory_space<vmem>> -> memref<1x80xi32, #tpu.memory_space<vmem>>
        %dma_start3A_28 = tpu.memref_squeeze %dma_start3A_27 : memref<1x80xi32, #tpu.memory_space<vmem>> -> memref<80xi32, #tpu.memory_space<vmem>>
        %dma_start3A_29 = arith.constant 0 : i32
        %dma_start3A_30 = arith.constant 0 : i32
        %dma_start3A_31 = tpu.memref_slice %arg8[%dma_start3A_29, %dma_start3A_30] : memref<10000x128xf32, #tpu.memory_space<vmem_shared>> -> memref<10000x128xf32, #tpu.memory_space<vmem_shared>>
        tpu.enqueue_indirect_dma source(%arg7 : memref<80x128xf32, #tpu.memory_space<vmem>>) target(%dma_start3A_31 : memref<10000x128xf32, #tpu.memory_space<vmem_shared>>) offsets(%dma_start3A_28 : memref<80xi32, #tpu.memory_space<vmem>>) semaphore(%run_scoped3A : memref<!tpu.dma_semaphore, #tpu.memory_space<semaphore_mem>>) {add = true}
        %dma_wait3A = arith.constant 0 : i32
        %dma_wait3A_32 = tpu.memref_slice %arg6[%add3A_26, %dma_wait3A] : memref<125x80xi32, #tpu.memory_space<vmem>> -> memref<1x80xi32, #tpu.memory_space<vmem>>
        %dma_wait3A_33 = tpu.memref_squeeze %dma_wait3A_32 : memref<1x80xi32, #tpu.memory_space<vmem>> -> memref<80xi32, #tpu.memory_space<vmem>>
        %dma_wait3A_34 = arith.constant 0 : i32
        %dma_wait3A_35 = arith.constant 0 : i32
        %dma_wait3A_36 = tpu.memref_slice %arg8[%dma_wait3A_34, %dma_wait3A_35] : memref<10000x128xf32, #tpu.memory_space<vmem_shared>> -> memref<10000x128xf32, #tpu.memory_space<vmem_shared>>
        tpu.wait_indirect_dma semaphore(%run_scoped3A : memref<!tpu.dma_semaphore, #tpu.memory_space<semaphore_mem>>) src(%arg7 : memref<80x128xf32, #tpu.memory_space<vmem>>) dst(%dma_wait3A_36 : memref<10000x128xf32, #tpu.memory_space<vmem_shared>>)
        tpu.yield
      }) : () -> ()
    }
    %scan3A_10 = arith.constant 125 : i32
    %barrier3A_11 = arith.constant 0 : index
    tpu.barrier barrier_id(%barrier3A_11)
    %lt3A_12 = arith.constant 15 : i32
    %lt3A_13 = arith.cmpi slt, %arg1, %lt3A_12 : i32
    %convert_element_type3A_14 = arith.extui %lt3A_13 : i1 to i32
    %cond3A_15 = arith.constant 0 : i32
    %cond3A_16 = arith.cmpi ne, %convert_element_type3A_14, %cond3A_15 : i32
    scf.if %cond3A_16 {
      %mul3A_22 = arith.constant 624 : i32
      %mul3A_23 = arith.muli %arg1, %mul3A_22 : i32
      %mul3A_24 = arith.constant 624 : i32
      %mul3A_25 = arith.muli %arg1, %mul3A_24 : i32
      "tpu.region"() ({
        %run_scoped3A = tpu.sem_alloc : memref<!tpu.dma_semaphore, #tpu.memory_space<semaphore_mem>>
        %dma_start3A = arith.constant 0 : i32
        %dma_start3A_26 = arith.constant 0 : i32
        %dma_start3A_27 = tpu.memref_slice %arg5[%arg0, %dma_start3A, %dma_start3A_26] : memref<2x10000x128xf32, #tpu.memory_space<hbm>> -> memref<1x10000x128xf32, #tpu.memory_space<hbm>>
        %dma_start3A_28 = tpu.memref_squeeze %dma_start3A_27 : memref<1x10000x128xf32, #tpu.memory_space<hbm>> -> memref<10000x128xf32, #tpu.memory_space<hbm>>
        %dma_start3A_29 = arith.constant 0 : i32
        %dma_start3A_30 = tpu.memref_slice %dma_start3A_28[%mul3A_25, %dma_start3A_29] : memref<10000x128xf32, #tpu.memory_space<hbm>> -> memref<624x128xf32, #tpu.memory_space<hbm>>
        %dma_start3A_31 = arith.constant 0 : i32
        %dma_start3A_32 = tpu.memref_slice %arg8[%mul3A_23, %dma_start3A_31] : memref<10000x128xf32, #tpu.memory_space<vmem_shared>> -> memref<624x128xf32, #tpu.memory_space<vmem_shared>>
        tpu.enqueue_dma source(%dma_start3A_32 : memref<624x128xf32, #tpu.memory_space<vmem_shared>>) target(%dma_start3A_30 : memref<624x128xf32, #tpu.memory_space<hbm>>) target_semaphore(%run_scoped3A : memref<!tpu.dma_semaphore, #tpu.memory_space<semaphore_mem>>)
        %dma_wait3A = arith.constant 0 : i32
        %dma_wait3A_33 = arith.constant 0 : i32
        %dma_wait3A_34 = tpu.memref_slice %arg5[%arg0, %dma_wait3A, %dma_wait3A_33] : memref<2x10000x128xf32, #tpu.memory_space<hbm>> -> memref<1x10000x128xf32, #tpu.memory_space<hbm>>
        %dma_wait3A_35 = tpu.memref_squeeze %dma_wait3A_34 : memref<1x10000x128xf32, #tpu.memory_space<hbm>> -> memref<10000x128xf32, #tpu.memory_space<hbm>>
        %dma_wait3A_36 = arith.constant 0 : i32
        %dma_wait3A_37 = tpu.memref_slice %dma_wait3A_35[%mul3A_25, %dma_wait3A_36] : memref<10000x128xf32, #tpu.memory_space<hbm>> -> memref<624x128xf32, #tpu.memory_space<hbm>>
        %dma_wait3A_38 = arith.constant 0 : i32
        %dma_wait3A_39 = tpu.memref_slice %arg8[%mul3A_23, %dma_wait3A_38] : memref<10000x128xf32, #tpu.memory_space<vmem_shared>> -> memref<624x128xf32, #tpu.memory_space<vmem_shared>>
        tpu.wait_dma2 semaphore(%run_scoped3A : memref<!tpu.dma_semaphore, #tpu.memory_space<semaphore_mem>>) src(%dma_wait3A_39 : memref<624x128xf32, #tpu.memory_space<vmem_shared>>) dst(%dma_wait3A_37 : memref<624x128xf32, #tpu.memory_space<hbm>>)
        tpu.yield
      }) : () -> ()
    } else {
    }
    %eq3A_17 = arith.constant 15 : i32
    %eq3A_18 = arith.cmpi eq, %arg1, %eq3A_17 : i32
    %convert_element_type3A_19 = arith.extui %eq3A_18 : i1 to i32
    %cond3A_20 = arith.constant 0 : i32
    %cond3A_21 = arith.cmpi ne, %convert_element_type3A_19, %cond3A_20 : i32
    scf.if %cond3A_21 {
      "tpu.region"() ({
        %run_scoped3A = tpu.sem_alloc : memref<!tpu.dma_semaphore, #tpu.memory_space<semaphore_mem>>
        %dma_start3A = arith.constant 0 : i32
        %dma_start3A_22 = arith.constant 0 : i32
        %dma_start3A_23 = tpu.memref_slice %arg5[%arg0, %dma_start3A, %dma_start3A_22] : memref<2x10000x128xf32, #tpu.memory_space<hbm>> -> memref<1x10000x128xf32, #tpu.memory_space<hbm>>
        %dma_start3A_24 = tpu.memref_squeeze %dma_start3A_23 : memref<1x10000x128xf32, #tpu.memory_space<hbm>> -> memref<10000x128xf32, #tpu.memory_space<hbm>>
        %dma_start3A_25 = arith.constant 9360 : i32
        %dma_start3A_26 = arith.constant 0 : i32
        %dma_start3A_27 = tpu.memref_slice %dma_start3A_24[%dma_start3A_25, %dma_start3A_26] : memref<10000x128xf32, #tpu.memory_space<hbm>> -> memref<640x128xf32, #tpu.memory_space<hbm>>
        %dma_start3A_28 = arith.constant 9360 : i32
        %dma_start3A_29 = arith.constant 0 : i32
        %dma_start3A_30 = tpu.memref_slice %arg8[%dma_start3A_28, %dma_start3A_29] : memref<10000x128xf32, #tpu.memory_space<vmem_shared>> -> memref<640x128xf32, #tpu.memory_space<vmem_shared>>
        tpu.enqueue_dma source(%dma_start3A_30 : memref<640x128xf32, #tpu.memory_space<vmem_shared>>) target(%dma_start3A_27 : memref<640x128xf32, #tpu.memory_space<hbm>>) target_semaphore(%run_scoped3A : memref<!tpu.dma_semaphore, #tpu.memory_space<semaphore_mem>>)
        %dma_wait3A = arith.constant 0 : i32
        %dma_wait3A_31 = arith.constant 0 : i32
        %dma_wait3A_32 = tpu.memref_slice %arg5[%arg0, %dma_wait3A, %dma_wait3A_31] : memref<2x10000x128xf32, #tpu.memory_space<hbm>> -> memref<1x10000x128xf32, #tpu.memory_space<hbm>>
        %dma_wait3A_33 = tpu.memref_squeeze %dma_wait3A_32 : memref<1x10000x128xf32, #tpu.memory_space<hbm>> -> memref<10000x128xf32, #tpu.memory_space<hbm>>
        %dma_wait3A_34 = arith.constant 9360 : i32
        %dma_wait3A_35 = arith.constant 0 : i32
        %dma_wait3A_36 = tpu.memref_slice %dma_wait3A_33[%dma_wait3A_34, %dma_wait3A_35] : memref<10000x128xf32, #tpu.memory_space<hbm>> -> memref<640x128xf32, #tpu.memory_space<hbm>>
        %dma_wait3A_37 = arith.constant 9360 : i32
        %dma_wait3A_38 = arith.constant 0 : i32
        %dma_wait3A_39 = tpu.memref_slice %arg8[%dma_wait3A_37, %dma_wait3A_38] : memref<10000x128xf32, #tpu.memory_space<vmem_shared>> -> memref<640x128xf32, #tpu.memory_space<vmem_shared>>
        tpu.wait_dma2 semaphore(%run_scoped3A : memref<!tpu.dma_semaphore, #tpu.memory_space<semaphore_mem>>) src(%dma_wait3A_39 : memref<640x128xf32, #tpu.memory_space<vmem_shared>>) dst(%dma_wait3A_36 : memref<640x128xf32, #tpu.memory_space<hbm>>)
        tpu.yield
      }) : () -> ()
    } else {
    }
    return
  }
}

#map = affine_map<(d0, d1) -> (0, 0)>
#map1 = affine_map<(d0, d1) -> (0, 0, 0)>
module attributes {stable_mosaic.version = 14 : i64} {
  func.func @agg_kernel(%arg0: i32, %arg1: i32, %arg2: memref<32x10000xi32, #tpu.memory_space<hbm>>, %arg3: memref<32x125x80xi32, #tpu.memory_space<hbm>>, %arg4: memref<10000x128xf32, #tpu.memory_space<hbm>>, %arg5: memref<10000x128xf32, #tpu.memory_space<hbm>>, %arg6: memref<2x10000x128xf32, #tpu.memory_space<hbm>>, %arg7: memref<10000xi32, #tpu.memory_space<vmem>>, %arg8: memref<125x80xi32, #tpu.memory_space<vmem>>, %arg9: memref<80x128xf32, #tpu.memory_space<vmem>>, %arg10: memref<80x128xf32, #tpu.memory_space<vmem>>, %arg11: memref<10000x128xf32, #tpu.memory_space<vmem_shared>>, %arg12: memref<!tpu.dma_semaphore, #tpu.memory_space<semaphore_mem>>, %arg13: memref<!tpu.dma_semaphore, #tpu.memory_space<semaphore_mem>>) attributes {dimension_semantics = [#tpu.dimension_semantics<core_parallel>, #tpu.dimension_semantics<subcore_parallel>], iteration_bounds = array<i64: 2, 16>, scalar_prefetch = 0 : i64, scratch_operands = 7 : i64, tpu.core_type = #tpu.core_type<sc_vector_subcore>, window_params = [{transform_indices = #map}, {transform_indices = #map1}, {transform_indices = #map}, {transform_indices = #map}, {transform_indices = #map1}]} {
    %mul3A = arith.constant 16 : i32
    %mul3A_0 = arith.muli %arg0, %mul3A : i32
    %add3A = arith.addi %mul3A_0, %arg1 : i32
    "tpu.region"() ({
      %run_scoped3A_30 = tpu.sem_alloc : memref<!tpu.dma_semaphore, #tpu.memory_space<semaphore_mem>>
      %dma_start3A_31 = arith.constant 0 : i32
      %dma_start3A_32 = tpu.memref_slice %arg2[%add3A, %dma_start3A_31] : memref<32x10000xi32, #tpu.memory_space<hbm>> -> memref<1x10000xi32, #tpu.memory_space<hbm>>
      %dma_start3A_33 = tpu.memref_squeeze %dma_start3A_32 : memref<1x10000xi32, #tpu.memory_space<hbm>> -> memref<10000xi32, #tpu.memory_space<hbm>>
      %dma_start3A_34 = arith.constant 0 : i32
      %dma_start3A_35 = tpu.memref_slice %arg2[%add3A, %dma_start3A_34] : memref<32x10000xi32, #tpu.memory_space<hbm>> -> memref<1x10000xi32, #tpu.memory_space<hbm>>
      %dma_start3A_36 = tpu.memref_squeeze %dma_start3A_35 : memref<1x10000xi32, #tpu.memory_space<hbm>> -> memref<10000xi32, #tpu.memory_space<hbm>>
      tpu.enqueue_dma source(%dma_start3A_36 : memref<10000xi32, #tpu.memory_space<hbm>>) target(%arg7 : memref<10000xi32, #tpu.memory_space<vmem>>) target_semaphore(%run_scoped3A_30 : memref<!tpu.dma_semaphore, #tpu.memory_space<semaphore_mem>>)
      %dma_wait3A_37 = arith.constant 0 : i32
      %dma_wait3A_38 = tpu.memref_slice %arg2[%add3A, %dma_wait3A_37] : memref<32x10000xi32, #tpu.memory_space<hbm>> -> memref<1x10000xi32, #tpu.memory_space<hbm>>
      %dma_wait3A_39 = tpu.memref_squeeze %dma_wait3A_38 : memref<1x10000xi32, #tpu.memory_space<hbm>> -> memref<10000xi32, #tpu.memory_space<hbm>>
      %dma_wait3A_40 = arith.constant 0 : i32
      %dma_wait3A_41 = tpu.memref_slice %arg2[%add3A, %dma_wait3A_40] : memref<32x10000xi32, #tpu.memory_space<hbm>> -> memref<1x10000xi32, #tpu.memory_space<hbm>>
      %dma_wait3A_42 = tpu.memref_squeeze %dma_wait3A_41 : memref<1x10000xi32, #tpu.memory_space<hbm>> -> memref<10000xi32, #tpu.memory_space<hbm>>
      tpu.wait_dma2 semaphore(%run_scoped3A_30 : memref<!tpu.dma_semaphore, #tpu.memory_space<semaphore_mem>>) src(%dma_wait3A_42 : memref<10000xi32, #tpu.memory_space<hbm>>) dst(%arg7 : memref<10000xi32, #tpu.memory_space<vmem>>)
      tpu.yield
    }) : () -> ()
    "tpu.region"() ({
      %run_scoped3A_30 = tpu.sem_alloc : memref<!tpu.dma_semaphore, #tpu.memory_space<semaphore_mem>>
      %dma_start3A_31 = arith.constant 0 : i32
      %dma_start3A_32 = arith.constant 0 : i32
      %dma_start3A_33 = tpu.memref_slice %arg3[%add3A, %dma_start3A_31, %dma_start3A_32] : memref<32x125x80xi32, #tpu.memory_space<hbm>> -> memref<1x125x80xi32, #tpu.memory_space<hbm>>
      %dma_start3A_34 = tpu.memref_squeeze %dma_start3A_33 : memref<1x125x80xi32, #tpu.memory_space<hbm>> -> memref<125x80xi32, #tpu.memory_space<hbm>>
      %dma_start3A_35 = arith.constant 0 : i32
      %dma_start3A_36 = arith.constant 0 : i32
      %dma_start3A_37 = tpu.memref_slice %arg3[%add3A, %dma_start3A_35, %dma_start3A_36] : memref<32x125x80xi32, #tpu.memory_space<hbm>> -> memref<1x125x80xi32, #tpu.memory_space<hbm>>
      %dma_start3A_38 = tpu.memref_squeeze %dma_start3A_37 : memref<1x125x80xi32, #tpu.memory_space<hbm>> -> memref<125x80xi32, #tpu.memory_space<hbm>>
      tpu.enqueue_dma source(%dma_start3A_38 : memref<125x80xi32, #tpu.memory_space<hbm>>) target(%arg8 : memref<125x80xi32, #tpu.memory_space<vmem>>) target_semaphore(%run_scoped3A_30 : memref<!tpu.dma_semaphore, #tpu.memory_space<semaphore_mem>>)
      %dma_wait3A_39 = arith.constant 0 : i32
      %dma_wait3A_40 = arith.constant 0 : i32
      %dma_wait3A_41 = tpu.memref_slice %arg3[%add3A, %dma_wait3A_39, %dma_wait3A_40] : memref<32x125x80xi32, #tpu.memory_space<hbm>> -> memref<1x125x80xi32, #tpu.memory_space<hbm>>
      %dma_wait3A_42 = tpu.memref_squeeze %dma_wait3A_41 : memref<1x125x80xi32, #tpu.memory_space<hbm>> -> memref<125x80xi32, #tpu.memory_space<hbm>>
      %dma_wait3A_43 = arith.constant 0 : i32
      %dma_wait3A_44 = arith.constant 0 : i32
      %dma_wait3A_45 = tpu.memref_slice %arg3[%add3A, %dma_wait3A_43, %dma_wait3A_44] : memref<32x125x80xi32, #tpu.memory_space<hbm>> -> memref<1x125x80xi32, #tpu.memory_space<hbm>>
      %dma_wait3A_46 = tpu.memref_squeeze %dma_wait3A_45 : memref<1x125x80xi32, #tpu.memory_space<hbm>> -> memref<125x80xi32, #tpu.memory_space<hbm>>
      tpu.wait_dma2 semaphore(%run_scoped3A_30 : memref<!tpu.dma_semaphore, #tpu.memory_space<semaphore_mem>>) src(%dma_wait3A_46 : memref<125x80xi32, #tpu.memory_space<hbm>>) dst(%arg8 : memref<125x80xi32, #tpu.memory_space<vmem>>)
      tpu.yield
    }) : () -> ()
    %lt3A = arith.constant 15 : i32
    %lt3A_1 = arith.cmpi slt, %arg1, %lt3A : i32
    %convert_element_type3A = arith.extui %lt3A_1 : i1 to i32
    %cond3A = arith.constant 0 : i32
    %cond3A_2 = arith.cmpi ne, %convert_element_type3A, %cond3A : i32
    scf.if %cond3A_2 {
      %mul3A_30 = arith.constant 624 : i32
      %mul3A_31 = arith.muli %arg1, %mul3A_30 : i32
      %mul3A_32 = arith.constant 624 : i32
      %mul3A_33 = arith.muli %arg1, %mul3A_32 : i32
      "tpu.region"() ({
        %run_scoped3A_34 = tpu.sem_alloc : memref<!tpu.dma_semaphore, #tpu.memory_space<semaphore_mem>>
        %dma_start3A_35 = arith.constant 0 : i32
        %dma_start3A_36 = tpu.memref_slice %arg11[%mul3A_33, %dma_start3A_35] : memref<10000x128xf32, #tpu.memory_space<vmem_shared>> -> memref<624x128xf32, #tpu.memory_space<vmem_shared>>
        %dma_start3A_37 = arith.constant 0 : i32
        %dma_start3A_38 = tpu.memref_slice %arg5[%mul3A_31, %dma_start3A_37] : memref<10000x128xf32, #tpu.memory_space<hbm>> -> memref<624x128xf32, #tpu.memory_space<hbm>>
        tpu.enqueue_dma source(%dma_start3A_38 : memref<624x128xf32, #tpu.memory_space<hbm>>) target(%dma_start3A_36 : memref<624x128xf32, #tpu.memory_space<vmem_shared>>) target_semaphore(%run_scoped3A_34 : memref<!tpu.dma_semaphore, #tpu.memory_space<semaphore_mem>>)
        %dma_wait3A_39 = arith.constant 0 : i32
        %dma_wait3A_40 = tpu.memref_slice %arg11[%mul3A_33, %dma_wait3A_39] : memref<10000x128xf32, #tpu.memory_space<vmem_shared>> -> memref<624x128xf32, #tpu.memory_space<vmem_shared>>
        %dma_wait3A_41 = arith.constant 0 : i32
        %dma_wait3A_42 = tpu.memref_slice %arg5[%mul3A_31, %dma_wait3A_41] : memref<10000x128xf32, #tpu.memory_space<hbm>> -> memref<624x128xf32, #tpu.memory_space<hbm>>
        tpu.wait_dma2 semaphore(%run_scoped3A_34 : memref<!tpu.dma_semaphore, #tpu.memory_space<semaphore_mem>>) src(%dma_wait3A_42 : memref<624x128xf32, #tpu.memory_space<hbm>>) dst(%dma_wait3A_40 : memref<624x128xf32, #tpu.memory_space<vmem_shared>>)
        tpu.yield
      }) : () -> ()
    } else {
    }
    %eq3A = arith.constant 15 : i32
    %eq3A_3 = arith.cmpi eq, %arg1, %eq3A : i32
    %convert_element_type3A_4 = arith.extui %eq3A_3 : i1 to i32
    %cond3A_5 = arith.constant 0 : i32
    %cond3A_6 = arith.cmpi ne, %convert_element_type3A_4, %cond3A_5 : i32
    scf.if %cond3A_6 {
      "tpu.region"() ({
        %run_scoped3A_30 = tpu.sem_alloc : memref<!tpu.dma_semaphore, #tpu.memory_space<semaphore_mem>>
        %dma_start3A_31 = arith.constant 9360 : i32
        %dma_start3A_32 = arith.constant 0 : i32
        %dma_start3A_33 = tpu.memref_slice %arg11[%dma_start3A_31, %dma_start3A_32] : memref<10000x128xf32, #tpu.memory_space<vmem_shared>> -> memref<640x128xf32, #tpu.memory_space<vmem_shared>>
        %dma_start3A_34 = arith.constant 9360 : i32
        %dma_start3A_35 = arith.constant 0 : i32
        %dma_start3A_36 = tpu.memref_slice %arg5[%dma_start3A_34, %dma_start3A_35] : memref<10000x128xf32, #tpu.memory_space<hbm>> -> memref<640x128xf32, #tpu.memory_space<hbm>>
        tpu.enqueue_dma source(%dma_start3A_36 : memref<640x128xf32, #tpu.memory_space<hbm>>) target(%dma_start3A_33 : memref<640x128xf32, #tpu.memory_space<vmem_shared>>) target_semaphore(%run_scoped3A_30 : memref<!tpu.dma_semaphore, #tpu.memory_space<semaphore_mem>>)
        %dma_wait3A_37 = arith.constant 9360 : i32
        %dma_wait3A_38 = arith.constant 0 : i32
        %dma_wait3A_39 = tpu.memref_slice %arg11[%dma_wait3A_37, %dma_wait3A_38] : memref<10000x128xf32, #tpu.memory_space<vmem_shared>> -> memref<640x128xf32, #tpu.memory_space<vmem_shared>>
        %dma_wait3A_40 = arith.constant 9360 : i32
        %dma_wait3A_41 = arith.constant 0 : i32
        %dma_wait3A_42 = tpu.memref_slice %arg5[%dma_wait3A_40, %dma_wait3A_41] : memref<10000x128xf32, #tpu.memory_space<hbm>> -> memref<640x128xf32, #tpu.memory_space<hbm>>
        tpu.wait_dma2 semaphore(%run_scoped3A_30 : memref<!tpu.dma_semaphore, #tpu.memory_space<semaphore_mem>>) src(%dma_wait3A_42 : memref<640x128xf32, #tpu.memory_space<hbm>>) dst(%dma_wait3A_39 : memref<640x128xf32, #tpu.memory_space<vmem_shared>>)
        tpu.yield
      }) : () -> ()
    } else {
    }
    %barrier3A = arith.constant 0 : index
    tpu.barrier barrier_id(%barrier3A)
    %dma_start3A = arith.constant 0 : i32
    %dma_start3A_7 = tpu.memref_slice %arg7[%dma_start3A] : memref<10000xi32, #tpu.memory_space<vmem>> -> memref<80xi32, #tpu.memory_space<vmem>>
    %dma_start3A_8 = arith.constant 0 : i32
    %dma_start3A_9 = arith.constant 0 : i32
    %dma_start3A_10 = tpu.memref_slice %arg4[%dma_start3A_8, %dma_start3A_9] : memref<10000x128xf32, #tpu.memory_space<hbm>> -> memref<10000x128xf32, #tpu.memory_space<hbm>>
    tpu.enqueue_indirect_dma source(%dma_start3A_10 : memref<10000x128xf32, #tpu.memory_space<hbm>>) target(%arg9 : memref<80x128xf32, #tpu.memory_space<vmem>>) offsets(%dma_start3A_7 : memref<80xi32, #tpu.memory_space<vmem>>) semaphore(%arg12 : memref<!tpu.dma_semaphore, #tpu.memory_space<semaphore_mem>>)
    %scan3A = arith.constant 0 : i32
    %scan3A_11 = arith.constant 62 : i32
    %scan3A_12 = arith.addi %scan3A, %scan3A_11 : i32
    %scan3A_13 = arith.constant 1 : i32
    scf.for %scan3A_30 = %scan3A to %scan3A_12 step %scan3A_13  : i32 {
      %mul3A_31 = arith.constant 2 : i32
      %mul3A_32 = arith.muli %scan3A_30, %mul3A_31 : i32
      %add3A_33 = arith.constant 0 : i32
      %add3A_34 = arith.addi %add3A_33, %mul3A_32 : i32
      %add3A_35 = arith.constant 1 : i32
      %add3A_36 = arith.addi %add3A_34, %add3A_35 : i32
      %mul3A_37 = arith.constant 80 : i32
      %mul3A_38 = arith.muli %add3A_36, %mul3A_37 : i32
      %dma_start3A_39 = tpu.memref_slice %arg7[%mul3A_38] : memref<10000xi32, #tpu.memory_space<vmem>> -> memref<80xi32, #tpu.memory_space<vmem>>
      %dma_start3A_40 = arith.constant 0 : i32
      %dma_start3A_41 = arith.constant 0 : i32
      %dma_start3A_42 = tpu.memref_slice %arg4[%dma_start3A_40, %dma_start3A_41] : memref<10000x128xf32, #tpu.memory_space<hbm>> -> memref<10000x128xf32, #tpu.memory_space<hbm>>
      tpu.enqueue_indirect_dma source(%dma_start3A_42 : memref<10000x128xf32, #tpu.memory_space<hbm>>) target(%arg10 : memref<80x128xf32, #tpu.memory_space<vmem>>) offsets(%dma_start3A_39 : memref<80xi32, #tpu.memory_space<vmem>>) semaphore(%arg13 : memref<!tpu.dma_semaphore, #tpu.memory_space<semaphore_mem>>)
      %dma_wait3A_43 = arith.constant 0 : i32
      %dma_wait3A_44 = tpu.memref_slice %arg7[%dma_wait3A_43] : memref<10000xi32, #tpu.memory_space<vmem>> -> memref<80xi32, #tpu.memory_space<vmem>>
      %dma_wait3A_45 = arith.constant 0 : i32
      %dma_wait3A_46 = arith.constant 0 : i32
      %dma_wait3A_47 = tpu.memref_slice %arg4[%dma_wait3A_45, %dma_wait3A_46] : memref<10000x128xf32, #tpu.memory_space<hbm>> -> memref<10000x128xf32, #tpu.memory_space<hbm>>
      tpu.wait_indirect_dma semaphore(%arg12 : memref<!tpu.dma_semaphore, #tpu.memory_space<semaphore_mem>>) src(%dma_wait3A_47 : memref<10000x128xf32, #tpu.memory_space<hbm>>) dst(%arg9 : memref<80x128xf32, #tpu.memory_space<vmem>>)
      "tpu.region"() ({
        %run_scoped3A_63 = tpu.sem_alloc : memref<!tpu.dma_semaphore, #tpu.memory_space<semaphore_mem>>
        %dma_start3A_64 = arith.constant 0 : i32
        %dma_start3A_65 = tpu.memref_slice %arg8[%add3A_34, %dma_start3A_64] : memref<125x80xi32, #tpu.memory_space<vmem>> -> memref<1x80xi32, #tpu.memory_space<vmem>>
        %dma_start3A_66 = tpu.memref_squeeze %dma_start3A_65 : memref<1x80xi32, #tpu.memory_space<vmem>> -> memref<80xi32, #tpu.memory_space<vmem>>
        %dma_start3A_67 = arith.constant 0 : i32
        %dma_start3A_68 = arith.constant 0 : i32
        %dma_start3A_69 = tpu.memref_slice %arg11[%dma_start3A_67, %dma_start3A_68] : memref<10000x128xf32, #tpu.memory_space<vmem_shared>> -> memref<10000x128xf32, #tpu.memory_space<vmem_shared>>
        tpu.enqueue_indirect_dma source(%arg9 : memref<80x128xf32, #tpu.memory_space<vmem>>) target(%dma_start3A_69 : memref<10000x128xf32, #tpu.memory_space<vmem_shared>>) offsets(%dma_start3A_66 : memref<80xi32, #tpu.memory_space<vmem>>) semaphore(%run_scoped3A_63 : memref<!tpu.dma_semaphore, #tpu.memory_space<semaphore_mem>>) {add = true}
        %dma_wait3A_70 = arith.constant 0 : i32
        %dma_wait3A_71 = tpu.memref_slice %arg8[%add3A_34, %dma_wait3A_70] : memref<125x80xi32, #tpu.memory_space<vmem>> -> memref<1x80xi32, #tpu.memory_space<vmem>>
        %dma_wait3A_72 = tpu.memref_squeeze %dma_wait3A_71 : memref<1x80xi32, #tpu.memory_space<vmem>> -> memref<80xi32, #tpu.memory_space<vmem>>
        %dma_wait3A_73 = arith.constant 0 : i32
        %dma_wait3A_74 = arith.constant 0 : i32
        %dma_wait3A_75 = tpu.memref_slice %arg11[%dma_wait3A_73, %dma_wait3A_74] : memref<10000x128xf32, #tpu.memory_space<vmem_shared>> -> memref<10000x128xf32, #tpu.memory_space<vmem_shared>>
        tpu.wait_indirect_dma semaphore(%run_scoped3A_63 : memref<!tpu.dma_semaphore, #tpu.memory_space<semaphore_mem>>) src(%arg9 : memref<80x128xf32, #tpu.memory_space<vmem>>) dst(%dma_wait3A_75 : memref<10000x128xf32, #tpu.memory_space<vmem_shared>>)
        tpu.yield
      }) : () -> ()
      %add3A_48 = arith.constant 2 : i32
      %add3A_49 = arith.addi %add3A_34, %add3A_48 : i32
      %mul3A_50 = arith.constant 80 : i32
      %mul3A_51 = arith.muli %add3A_49, %mul3A_50 : i32
      %dma_start3A_52 = tpu.memref_slice %arg7[%mul3A_51] : memref<10000xi32, #tpu.memory_space<vmem>> -> memref<80xi32, #tpu.memory_space<vmem>>
      %dma_start3A_53 = arith.constant 0 : i32
      %dma_start3A_54 = arith.constant 0 : i32
      %dma_start3A_55 = tpu.memref_slice %arg4[%dma_start3A_53, %dma_start3A_54] : memref<10000x128xf32, #tpu.memory_space<hbm>> -> memref<10000x128xf32, #tpu.memory_space<hbm>>
      tpu.enqueue_indirect_dma source(%dma_start3A_55 : memref<10000x128xf32, #tpu.memory_space<hbm>>) target(%arg9 : memref<80x128xf32, #tpu.memory_space<vmem>>) offsets(%dma_start3A_52 : memref<80xi32, #tpu.memory_space<vmem>>) semaphore(%arg12 : memref<!tpu.dma_semaphore, #tpu.memory_space<semaphore_mem>>)
      %dma_wait3A_56 = arith.constant 0 : i32
      %dma_wait3A_57 = tpu.memref_slice %arg7[%dma_wait3A_56] : memref<10000xi32, #tpu.memory_space<vmem>> -> memref<80xi32, #tpu.memory_space<vmem>>
      %dma_wait3A_58 = arith.constant 0 : i32
      %dma_wait3A_59 = arith.constant 0 : i32
      %dma_wait3A_60 = tpu.memref_slice %arg4[%dma_wait3A_58, %dma_wait3A_59] : memref<10000x128xf32, #tpu.memory_space<hbm>> -> memref<10000x128xf32, #tpu.memory_space<hbm>>
      tpu.wait_indirect_dma semaphore(%arg13 : memref<!tpu.dma_semaphore, #tpu.memory_space<semaphore_mem>>) src(%dma_wait3A_60 : memref<10000x128xf32, #tpu.memory_space<hbm>>) dst(%arg10 : memref<80x128xf32, #tpu.memory_space<vmem>>)
      %add3A_61 = arith.constant 1 : i32
      %add3A_62 = arith.addi %add3A_34, %add3A_61 : i32
      "tpu.region"() ({
        %run_scoped3A_63 = tpu.sem_alloc : memref<!tpu.dma_semaphore, #tpu.memory_space<semaphore_mem>>
        %dma_start3A_64 = arith.constant 0 : i32
        %dma_start3A_65 = tpu.memref_slice %arg8[%add3A_62, %dma_start3A_64] : memref<125x80xi32, #tpu.memory_space<vmem>> -> memref<1x80xi32, #tpu.memory_space<vmem>>
        %dma_start3A_66 = tpu.memref_squeeze %dma_start3A_65 : memref<1x80xi32, #tpu.memory_space<vmem>> -> memref<80xi32, #tpu.memory_space<vmem>>
        %dma_start3A_67 = arith.constant 0 : i32
        %dma_start3A_68 = arith.constant 0 : i32
        %dma_start3A_69 = tpu.memref_slice %arg11[%dma_start3A_67, %dma_start3A_68] : memref<10000x128xf32, #tpu.memory_space<vmem_shared>> -> memref<10000x128xf32, #tpu.memory_space<vmem_shared>>
        tpu.enqueue_indirect_dma source(%arg10 : memref<80x128xf32, #tpu.memory_space<vmem>>) target(%dma_start3A_69 : memref<10000x128xf32, #tpu.memory_space<vmem_shared>>) offsets(%dma_start3A_66 : memref<80xi32, #tpu.memory_space<vmem>>) semaphore(%run_scoped3A_63 : memref<!tpu.dma_semaphore, #tpu.memory_space<semaphore_mem>>) {add = true}
        %dma_wait3A_70 = arith.constant 0 : i32
        %dma_wait3A_71 = tpu.memref_slice %arg8[%add3A_62, %dma_wait3A_70] : memref<125x80xi32, #tpu.memory_space<vmem>> -> memref<1x80xi32, #tpu.memory_space<vmem>>
        %dma_wait3A_72 = tpu.memref_squeeze %dma_wait3A_71 : memref<1x80xi32, #tpu.memory_space<vmem>> -> memref<80xi32, #tpu.memory_space<vmem>>
        %dma_wait3A_73 = arith.constant 0 : i32
        %dma_wait3A_74 = arith.constant 0 : i32
        %dma_wait3A_75 = tpu.memref_slice %arg11[%dma_wait3A_73, %dma_wait3A_74] : memref<10000x128xf32, #tpu.memory_space<vmem_shared>> -> memref<10000x128xf32, #tpu.memory_space<vmem_shared>>
        tpu.wait_indirect_dma semaphore(%run_scoped3A_63 : memref<!tpu.dma_semaphore, #tpu.memory_space<semaphore_mem>>) src(%arg10 : memref<80x128xf32, #tpu.memory_space<vmem>>) dst(%dma_wait3A_75 : memref<10000x128xf32, #tpu.memory_space<vmem_shared>>)
        tpu.yield
      }) : () -> ()
    }
    %scan3A_14 = arith.constant 62 : i32
    %dma_wait3A = arith.constant 0 : i32
    %dma_wait3A_15 = tpu.memref_slice %arg7[%dma_wait3A] : memref<10000xi32, #tpu.memory_space<vmem>> -> memref<80xi32, #tpu.memory_space<vmem>>
    %dma_wait3A_16 = arith.constant 0 : i32
    %dma_wait3A_17 = arith.constant 0 : i32
    %dma_wait3A_18 = tpu.memref_slice %arg4[%dma_wait3A_16, %dma_wait3A_17] : memref<10000x128xf32, #tpu.memory_space<hbm>> -> memref<10000x128xf32, #tpu.memory_space<hbm>>
    tpu.wait_indirect_dma semaphore(%arg12 : memref<!tpu.dma_semaphore, #tpu.memory_space<semaphore_mem>>) src(%dma_wait3A_18 : memref<10000x128xf32, #tpu.memory_space<hbm>>) dst(%arg9 : memref<80x128xf32, #tpu.memory_space<vmem>>)
    %run_scoped3A = arith.constant 124 : i32
    "tpu.region"() ({
      %run_scoped3A_30 = tpu.sem_alloc : memref<!tpu.dma_semaphore, #tpu.memory_space<semaphore_mem>>
      %dma_start3A_31 = arith.constant 0 : i32
      %dma_start3A_32 = tpu.memref_slice %arg8[%run_scoped3A, %dma_start3A_31] : memref<125x80xi32, #tpu.memory_space<vmem>> -> memref<1x80xi32, #tpu.memory_space<vmem>>
      %dma_start3A_33 = tpu.memref_squeeze %dma_start3A_32 : memref<1x80xi32, #tpu.memory_space<vmem>> -> memref<80xi32, #tpu.memory_space<vmem>>
      %dma_start3A_34 = arith.constant 0 : i32
      %dma_start3A_35 = arith.constant 0 : i32
      %dma_start3A_36 = tpu.memref_slice %arg11[%dma_start3A_34, %dma_start3A_35] : memref<10000x128xf32, #tpu.memory_space<vmem_shared>> -> memref<10000x128xf32, #tpu.memory_space<vmem_shared>>
      tpu.enqueue_indirect_dma source(%arg9 : memref<80x128xf32, #tpu.memory_space<vmem>>) target(%dma_start3A_36 : memref<10000x128xf32, #tpu.memory_space<vmem_shared>>) offsets(%dma_start3A_33 : memref<80xi32, #tpu.memory_space<vmem>>) semaphore(%run_scoped3A_30 : memref<!tpu.dma_semaphore, #tpu.memory_space<semaphore_mem>>) {add = true}
      %dma_wait3A_37 = arith.constant 0 : i32
      %dma_wait3A_38 = tpu.memref_slice %arg8[%run_scoped3A, %dma_wait3A_37] : memref<125x80xi32, #tpu.memory_space<vmem>> -> memref<1x80xi32, #tpu.memory_space<vmem>>
      %dma_wait3A_39 = tpu.memref_squeeze %dma_wait3A_38 : memref<1x80xi32, #tpu.memory_space<vmem>> -> memref<80xi32, #tpu.memory_space<vmem>>
      %dma_wait3A_40 = arith.constant 0 : i32
      %dma_wait3A_41 = arith.constant 0 : i32
      %dma_wait3A_42 = tpu.memref_slice %arg11[%dma_wait3A_40, %dma_wait3A_41] : memref<10000x128xf32, #tpu.memory_space<vmem_shared>> -> memref<10000x128xf32, #tpu.memory_space<vmem_shared>>
      tpu.wait_indirect_dma semaphore(%run_scoped3A_30 : memref<!tpu.dma_semaphore, #tpu.memory_space<semaphore_mem>>) src(%arg9 : memref<80x128xf32, #tpu.memory_space<vmem>>) dst(%dma_wait3A_42 : memref<10000x128xf32, #tpu.memory_space<vmem_shared>>)
      tpu.yield
    }) : () -> ()
    %barrier3A_19 = arith.constant 0 : index
    tpu.barrier barrier_id(%barrier3A_19)
    %lt3A_20 = arith.constant 15 : i32
    %lt3A_21 = arith.cmpi slt, %arg1, %lt3A_20 : i32
    %convert_element_type3A_22 = arith.extui %lt3A_21 : i1 to i32
    %cond3A_23 = arith.constant 0 : i32
    %cond3A_24 = arith.cmpi ne, %convert_element_type3A_22, %cond3A_23 : i32
    scf.if %cond3A_24 {
      %mul3A_30 = arith.constant 624 : i32
      %mul3A_31 = arith.muli %arg1, %mul3A_30 : i32
      %mul3A_32 = arith.constant 624 : i32
      %mul3A_33 = arith.muli %arg1, %mul3A_32 : i32
      "tpu.region"() ({
        %run_scoped3A_34 = tpu.sem_alloc : memref<!tpu.dma_semaphore, #tpu.memory_space<semaphore_mem>>
        %dma_start3A_35 = arith.constant 0 : i32
        %dma_start3A_36 = arith.constant 0 : i32
        %dma_start3A_37 = tpu.memref_slice %arg6[%arg0, %dma_start3A_35, %dma_start3A_36] : memref<2x10000x128xf32, #tpu.memory_space<hbm>> -> memref<1x10000x128xf32, #tpu.memory_space<hbm>>
        %dma_start3A_38 = tpu.memref_squeeze %dma_start3A_37 : memref<1x10000x128xf32, #tpu.memory_space<hbm>> -> memref<10000x128xf32, #tpu.memory_space<hbm>>
        %dma_start3A_39 = arith.constant 0 : i32
        %dma_start3A_40 = tpu.memref_slice %dma_start3A_38[%mul3A_33, %dma_start3A_39] : memref<10000x128xf32, #tpu.memory_space<hbm>> -> memref<624x128xf32, #tpu.memory_space<hbm>>
        %dma_start3A_41 = arith.constant 0 : i32
        %dma_start3A_42 = tpu.memref_slice %arg11[%mul3A_31, %dma_start3A_41] : memref<10000x128xf32, #tpu.memory_space<vmem_shared>> -> memref<624x128xf32, #tpu.memory_space<vmem_shared>>
        tpu.enqueue_dma source(%dma_start3A_42 : memref<624x128xf32, #tpu.memory_space<vmem_shared>>) target(%dma_start3A_40 : memref<624x128xf32, #tpu.memory_space<hbm>>) target_semaphore(%run_scoped3A_34 : memref<!tpu.dma_semaphore, #tpu.memory_space<semaphore_mem>>)
        %dma_wait3A_43 = arith.constant 0 : i32
        %dma_wait3A_44 = arith.constant 0 : i32
        %dma_wait3A_45 = tpu.memref_slice %arg6[%arg0, %dma_wait3A_43, %dma_wait3A_44] : memref<2x10000x128xf32, #tpu.memory_space<hbm>> -> memref<1x10000x128xf32, #tpu.memory_space<hbm>>
        %dma_wait3A_46 = tpu.memref_squeeze %dma_wait3A_45 : memref<1x10000x128xf32, #tpu.memory_space<hbm>> -> memref<10000x128xf32, #tpu.memory_space<hbm>>
        %dma_wait3A_47 = arith.constant 0 : i32
        %dma_wait3A_48 = tpu.memref_slice %dma_wait3A_46[%mul3A_33, %dma_wait3A_47] : memref<10000x128xf32, #tpu.memory_space<hbm>> -> memref<624x128xf32, #tpu.memory_space<hbm>>
        %dma_wait3A_49 = arith.constant 0 : i32
        %dma_wait3A_50 = tpu.memref_slice %arg11[%mul3A_31, %dma_wait3A_49] : memref<10000x128xf32, #tpu.memory_space<vmem_shared>> -> memref<624x128xf32, #tpu.memory_space<vmem_shared>>
        tpu.wait_dma2 semaphore(%run_scoped3A_34 : memref<!tpu.dma_semaphore, #tpu.memory_space<semaphore_mem>>) src(%dma_wait3A_50 : memref<624x128xf32, #tpu.memory_space<vmem_shared>>) dst(%dma_wait3A_48 : memref<624x128xf32, #tpu.memory_space<hbm>>)
        tpu.yield
      }) : () -> ()
    } else {
    }
    %eq3A_25 = arith.constant 15 : i32
    %eq3A_26 = arith.cmpi eq, %arg1, %eq3A_25 : i32
    %convert_element_type3A_27 = arith.extui %eq3A_26 : i1 to i32
    %cond3A_28 = arith.constant 0 : i32
    %cond3A_29 = arith.cmpi ne, %convert_element_type3A_27, %cond3A_28 : i32
    scf.if %cond3A_29 {
      "tpu.region"() ({
        %run_scoped3A_30 = tpu.sem_alloc : memref<!tpu.dma_semaphore, #tpu.memory_space<semaphore_mem>>
        %dma_start3A_31 = arith.constant 0 : i32
        %dma_start3A_32 = arith.constant 0 : i32
        %dma_start3A_33 = tpu.memref_slice %arg6[%arg0, %dma_start3A_31, %dma_start3A_32] : memref<2x10000x128xf32, #tpu.memory_space<hbm>> -> memref<1x10000x128xf32, #tpu.memory_space<hbm>>
        %dma_start3A_34 = tpu.memref_squeeze %dma_start3A_33 : memref<1x10000x128xf32, #tpu.memory_space<hbm>> -> memref<10000x128xf32, #tpu.memory_space<hbm>>
        %dma_start3A_35 = arith.constant 9360 : i32
        %dma_start3A_36 = arith.constant 0 : i32
        %dma_start3A_37 = tpu.memref_slice %dma_start3A_34[%dma_start3A_35, %dma_start3A_36] : memref<10000x128xf32, #tpu.memory_space<hbm>> -> memref<640x128xf32, #tpu.memory_space<hbm>>
        %dma_start3A_38 = arith.constant 9360 : i32
        %dma_start3A_39 = arith.constant 0 : i32
        %dma_start3A_40 = tpu.memref_slice %arg11[%dma_start3A_38, %dma_start3A_39] : memref<10000x128xf32, #tpu.memory_space<vmem_shared>> -> memref<640x128xf32, #tpu.memory_space<vmem_shared>>
        tpu.enqueue_dma source(%dma_start3A_40 : memref<640x128xf32, #tpu.memory_space<vmem_shared>>) target(%dma_start3A_37 : memref<640x128xf32, #tpu.memory_space<hbm>>) target_semaphore(%run_scoped3A_30 : memref<!tpu.dma_semaphore, #tpu.memory_space<semaphore_mem>>)
        %dma_wait3A_41 = arith.constant 0 : i32
        %dma_wait3A_42 = arith.constant 0 : i32
        %dma_wait3A_43 = tpu.memref_slice %arg6[%arg0, %dma_wait3A_41, %dma_wait3A_42] : memref<2x10000x128xf32, #tpu.memory_space<hbm>> -> memref<1x10000x128xf32, #tpu.memory_space<hbm>>
        %dma_wait3A_44 = tpu.memref_squeeze %dma_wait3A_43 : memref<1x10000x128xf32, #tpu.memory_space<hbm>> -> memref<10000x128xf32, #tpu.memory_space<hbm>>
        %dma_wait3A_45 = arith.constant 9360 : i32
        %dma_wait3A_46 = arith.constant 0 : i32
        %dma_wait3A_47 = tpu.memref_slice %dma_wait3A_44[%dma_wait3A_45, %dma_wait3A_46] : memref<10000x128xf32, #tpu.memory_space<hbm>> -> memref<640x128xf32, #tpu.memory_space<hbm>>
        %dma_wait3A_48 = arith.constant 9360 : i32
        %dma_wait3A_49 = arith.constant 0 : i32
        %dma_wait3A_50 = tpu.memref_slice %arg11[%dma_wait3A_48, %dma_wait3A_49] : memref<10000x128xf32, #tpu.memory_space<vmem_shared>> -> memref<640x128xf32, #tpu.memory_space<vmem_shared>>
        tpu.wait_dma2 semaphore(%run_scoped3A_30 : memref<!tpu.dma_semaphore, #tpu.memory_space<semaphore_mem>>) src(%dma_wait3A_50 : memref<640x128xf32, #tpu.memory_space<vmem_shared>>) dst(%dma_wait3A_47 : memref<640x128xf32, #tpu.memory_space<hbm>>)
        tpu.yield
      }) : () -> ()
    } else {
    }
    return
  }
}

#map = affine_map<(d0, d1) -> (0, 0)>
#map1 = affine_map<(d0, d1) -> (0, 0, 0)>
module attributes {stable_mosaic.version = 14 : i64} {
  func.func @agg_kernel(%arg0: i32, %arg1: i32, %arg2: memref<32x10000xi32, #tpu.memory_space<hbm>>, %arg3: memref<32x125x80xi32, #tpu.memory_space<hbm>>, %arg4: memref<10000x128xf32, #tpu.memory_space<hbm>>, %arg5: memref<10000x128xf32, #tpu.memory_space<hbm>>, %arg6: memref<2x10000x128xf32, #tpu.memory_space<hbm>>, %arg7: memref<10000xi32, #tpu.memory_space<vmem>>, %arg8: memref<125x80xi32, #tpu.memory_space<vmem>>, %arg9: memref<80x128xf32, #tpu.memory_space<vmem>>, %arg10: memref<80x128xf32, #tpu.memory_space<vmem>>, %arg11: memref<10000x128xf32, #tpu.memory_space<vmem_shared>>, %arg12: memref<!tpu.dma_semaphore, #tpu.memory_space<semaphore_mem>>, %arg13: memref<!tpu.dma_semaphore, #tpu.memory_space<semaphore_mem>>) attributes {dimension_semantics = [#tpu.dimension_semantics<core_parallel>, #tpu.dimension_semantics<subcore_parallel>], iteration_bounds = array<i64: 2, 16>, scalar_prefetch = 0 : i64, scratch_operands = 7 : i64, tpu.core_type = #tpu.core_type<sc_vector_subcore>, window_params = [{transform_indices = #map}, {transform_indices = #map1}, {transform_indices = #map}, {transform_indices = #map}, {transform_indices = #map1}]} {
    %mul3A = arith.constant 16 : i32
    %mul3A_0 = arith.muli %arg0, %mul3A : i32
    %add3A = arith.addi %mul3A_0, %arg1 : i32
    "tpu.region"() ({
      %run_scoped3A_30 = tpu.sem_alloc : memref<!tpu.dma_semaphore, #tpu.memory_space<semaphore_mem>>
      %dma_start3A_31 = arith.constant 0 : i32
      %dma_start3A_32 = tpu.memref_slice %arg2[%add3A, %dma_start3A_31] : memref<32x10000xi32, #tpu.memory_space<hbm>> -> memref<1x10000xi32, #tpu.memory_space<hbm>>
      %dma_start3A_33 = tpu.memref_squeeze %dma_start3A_32 : memref<1x10000xi32, #tpu.memory_space<hbm>> -> memref<10000xi32, #tpu.memory_space<hbm>>
      %dma_start3A_34 = arith.constant 0 : i32
      %dma_start3A_35 = tpu.memref_slice %arg2[%add3A, %dma_start3A_34] : memref<32x10000xi32, #tpu.memory_space<hbm>> -> memref<1x10000xi32, #tpu.memory_space<hbm>>
      %dma_start3A_36 = tpu.memref_squeeze %dma_start3A_35 : memref<1x10000xi32, #tpu.memory_space<hbm>> -> memref<10000xi32, #tpu.memory_space<hbm>>
      tpu.enqueue_dma source(%dma_start3A_36 : memref<10000xi32, #tpu.memory_space<hbm>>) target(%arg7 : memref<10000xi32, #tpu.memory_space<vmem>>) target_semaphore(%run_scoped3A_30 : memref<!tpu.dma_semaphore, #tpu.memory_space<semaphore_mem>>)
      %dma_wait3A_37 = arith.constant 0 : i32
      %dma_wait3A_38 = tpu.memref_slice %arg2[%add3A, %dma_wait3A_37] : memref<32x10000xi32, #tpu.memory_space<hbm>> -> memref<1x10000xi32, #tpu.memory_space<hbm>>
      %dma_wait3A_39 = tpu.memref_squeeze %dma_wait3A_38 : memref<1x10000xi32, #tpu.memory_space<hbm>> -> memref<10000xi32, #tpu.memory_space<hbm>>
      %dma_wait3A_40 = arith.constant 0 : i32
      %dma_wait3A_41 = tpu.memref_slice %arg2[%add3A, %dma_wait3A_40] : memref<32x10000xi32, #tpu.memory_space<hbm>> -> memref<1x10000xi32, #tpu.memory_space<hbm>>
      %dma_wait3A_42 = tpu.memref_squeeze %dma_wait3A_41 : memref<1x10000xi32, #tpu.memory_space<hbm>> -> memref<10000xi32, #tpu.memory_space<hbm>>
      tpu.wait_dma2 semaphore(%run_scoped3A_30 : memref<!tpu.dma_semaphore, #tpu.memory_space<semaphore_mem>>) src(%dma_wait3A_42 : memref<10000xi32, #tpu.memory_space<hbm>>) dst(%arg7 : memref<10000xi32, #tpu.memory_space<vmem>>)
      tpu.yield
    }) : () -> ()
    "tpu.region"() ({
      %run_scoped3A_30 = tpu.sem_alloc : memref<!tpu.dma_semaphore, #tpu.memory_space<semaphore_mem>>
      %dma_start3A_31 = arith.constant 0 : i32
      %dma_start3A_32 = arith.constant 0 : i32
      %dma_start3A_33 = tpu.memref_slice %arg3[%add3A, %dma_start3A_31, %dma_start3A_32] : memref<32x125x80xi32, #tpu.memory_space<hbm>> -> memref<1x125x80xi32, #tpu.memory_space<hbm>>
      %dma_start3A_34 = tpu.memref_squeeze %dma_start3A_33 : memref<1x125x80xi32, #tpu.memory_space<hbm>> -> memref<125x80xi32, #tpu.memory_space<hbm>>
      %dma_start3A_35 = arith.constant 0 : i32
      %dma_start3A_36 = arith.constant 0 : i32
      %dma_start3A_37 = tpu.memref_slice %arg3[%add3A, %dma_start3A_35, %dma_start3A_36] : memref<32x125x80xi32, #tpu.memory_space<hbm>> -> memref<1x125x80xi32, #tpu.memory_space<hbm>>
      %dma_start3A_38 = tpu.memref_squeeze %dma_start3A_37 : memref<1x125x80xi32, #tpu.memory_space<hbm>> -> memref<125x80xi32, #tpu.memory_space<hbm>>
      tpu.enqueue_dma source(%dma_start3A_38 : memref<125x80xi32, #tpu.memory_space<hbm>>) target(%arg8 : memref<125x80xi32, #tpu.memory_space<vmem>>) target_semaphore(%run_scoped3A_30 : memref<!tpu.dma_semaphore, #tpu.memory_space<semaphore_mem>>)
      %dma_wait3A_39 = arith.constant 0 : i32
      %dma_wait3A_40 = arith.constant 0 : i32
      %dma_wait3A_41 = tpu.memref_slice %arg3[%add3A, %dma_wait3A_39, %dma_wait3A_40] : memref<32x125x80xi32, #tpu.memory_space<hbm>> -> memref<1x125x80xi32, #tpu.memory_space<hbm>>
      %dma_wait3A_42 = tpu.memref_squeeze %dma_wait3A_41 : memref<1x125x80xi32, #tpu.memory_space<hbm>> -> memref<125x80xi32, #tpu.memory_space<hbm>>
      %dma_wait3A_43 = arith.constant 0 : i32
      %dma_wait3A_44 = arith.constant 0 : i32
      %dma_wait3A_45 = tpu.memref_slice %arg3[%add3A, %dma_wait3A_43, %dma_wait3A_44] : memref<32x125x80xi32, #tpu.memory_space<hbm>> -> memref<1x125x80xi32, #tpu.memory_space<hbm>>
      %dma_wait3A_46 = tpu.memref_squeeze %dma_wait3A_45 : memref<1x125x80xi32, #tpu.memory_space<hbm>> -> memref<125x80xi32, #tpu.memory_space<hbm>>
      tpu.wait_dma2 semaphore(%run_scoped3A_30 : memref<!tpu.dma_semaphore, #tpu.memory_space<semaphore_mem>>) src(%dma_wait3A_46 : memref<125x80xi32, #tpu.memory_space<hbm>>) dst(%arg8 : memref<125x80xi32, #tpu.memory_space<vmem>>)
      tpu.yield
    }) : () -> ()
    %lt3A = arith.constant 15 : i32
    %lt3A_1 = arith.cmpi slt, %arg1, %lt3A : i32
    %convert_element_type3A = arith.extui %lt3A_1 : i1 to i32
    %cond3A = arith.constant 0 : i32
    %cond3A_2 = arith.cmpi ne, %convert_element_type3A, %cond3A : i32
    scf.if %cond3A_2 {
      %mul3A_30 = arith.constant 624 : i32
      %mul3A_31 = arith.muli %arg1, %mul3A_30 : i32
      %mul3A_32 = arith.constant 624 : i32
      %mul3A_33 = arith.muli %arg1, %mul3A_32 : i32
      "tpu.region"() ({
        %run_scoped3A_34 = tpu.sem_alloc : memref<!tpu.dma_semaphore, #tpu.memory_space<semaphore_mem>>
        %dma_start3A_35 = arith.constant 0 : i32
        %dma_start3A_36 = tpu.memref_slice %arg11[%mul3A_33, %dma_start3A_35] : memref<10000x128xf32, #tpu.memory_space<vmem_shared>> -> memref<624x128xf32, #tpu.memory_space<vmem_shared>>
        %dma_start3A_37 = arith.constant 0 : i32
        %dma_start3A_38 = tpu.memref_slice %arg5[%mul3A_31, %dma_start3A_37] : memref<10000x128xf32, #tpu.memory_space<hbm>> -> memref<624x128xf32, #tpu.memory_space<hbm>>
        tpu.enqueue_dma source(%dma_start3A_38 : memref<624x128xf32, #tpu.memory_space<hbm>>) target(%dma_start3A_36 : memref<624x128xf32, #tpu.memory_space<vmem_shared>>) target_semaphore(%run_scoped3A_34 : memref<!tpu.dma_semaphore, #tpu.memory_space<semaphore_mem>>)
        %dma_wait3A_39 = arith.constant 0 : i32
        %dma_wait3A_40 = tpu.memref_slice %arg11[%mul3A_33, %dma_wait3A_39] : memref<10000x128xf32, #tpu.memory_space<vmem_shared>> -> memref<624x128xf32, #tpu.memory_space<vmem_shared>>
        %dma_wait3A_41 = arith.constant 0 : i32
        %dma_wait3A_42 = tpu.memref_slice %arg5[%mul3A_31, %dma_wait3A_41] : memref<10000x128xf32, #tpu.memory_space<hbm>> -> memref<624x128xf32, #tpu.memory_space<hbm>>
        tpu.wait_dma2 semaphore(%run_scoped3A_34 : memref<!tpu.dma_semaphore, #tpu.memory_space<semaphore_mem>>) src(%dma_wait3A_42 : memref<624x128xf32, #tpu.memory_space<hbm>>) dst(%dma_wait3A_40 : memref<624x128xf32, #tpu.memory_space<vmem_shared>>)
        tpu.yield
      }) : () -> ()
    } else {
    }
    %eq3A = arith.constant 15 : i32
    %eq3A_3 = arith.cmpi eq, %arg1, %eq3A : i32
    %convert_element_type3A_4 = arith.extui %eq3A_3 : i1 to i32
    %cond3A_5 = arith.constant 0 : i32
    %cond3A_6 = arith.cmpi ne, %convert_element_type3A_4, %cond3A_5 : i32
    scf.if %cond3A_6 {
      "tpu.region"() ({
        %run_scoped3A_30 = tpu.sem_alloc : memref<!tpu.dma_semaphore, #tpu.memory_space<semaphore_mem>>
        %dma_start3A_31 = arith.constant 9360 : i32
        %dma_start3A_32 = arith.constant 0 : i32
        %dma_start3A_33 = tpu.memref_slice %arg11[%dma_start3A_31, %dma_start3A_32] : memref<10000x128xf32, #tpu.memory_space<vmem_shared>> -> memref<640x128xf32, #tpu.memory_space<vmem_shared>>
        %dma_start3A_34 = arith.constant 9360 : i32
        %dma_start3A_35 = arith.constant 0 : i32
        %dma_start3A_36 = tpu.memref_slice %arg5[%dma_start3A_34, %dma_start3A_35] : memref<10000x128xf32, #tpu.memory_space<hbm>> -> memref<640x128xf32, #tpu.memory_space<hbm>>
        tpu.enqueue_dma source(%dma_start3A_36 : memref<640x128xf32, #tpu.memory_space<hbm>>) target(%dma_start3A_33 : memref<640x128xf32, #tpu.memory_space<vmem_shared>>) target_semaphore(%run_scoped3A_30 : memref<!tpu.dma_semaphore, #tpu.memory_space<semaphore_mem>>)
        %dma_wait3A_37 = arith.constant 9360 : i32
        %dma_wait3A_38 = arith.constant 0 : i32
        %dma_wait3A_39 = tpu.memref_slice %arg11[%dma_wait3A_37, %dma_wait3A_38] : memref<10000x128xf32, #tpu.memory_space<vmem_shared>> -> memref<640x128xf32, #tpu.memory_space<vmem_shared>>
        %dma_wait3A_40 = arith.constant 9360 : i32
        %dma_wait3A_41 = arith.constant 0 : i32
        %dma_wait3A_42 = tpu.memref_slice %arg5[%dma_wait3A_40, %dma_wait3A_41] : memref<10000x128xf32, #tpu.memory_space<hbm>> -> memref<640x128xf32, #tpu.memory_space<hbm>>
        tpu.wait_dma2 semaphore(%run_scoped3A_30 : memref<!tpu.dma_semaphore, #tpu.memory_space<semaphore_mem>>) src(%dma_wait3A_42 : memref<640x128xf32, #tpu.memory_space<hbm>>) dst(%dma_wait3A_39 : memref<640x128xf32, #tpu.memory_space<vmem_shared>>)
        tpu.yield
      }) : () -> ()
    } else {
    }
    %barrier3A = arith.constant 0 : index
    tpu.barrier barrier_id(%barrier3A)
    %dma_start3A = arith.constant 0 : i32
    %dma_start3A_7 = tpu.memref_slice %arg7[%dma_start3A] : memref<10000xi32, #tpu.memory_space<vmem>> -> memref<80xi32, #tpu.memory_space<vmem>>
    %dma_start3A_8 = arith.constant 0 : i32
    %dma_start3A_9 = arith.constant 0 : i32
    %dma_start3A_10 = tpu.memref_slice %arg4[%dma_start3A_8, %dma_start3A_9] : memref<10000x128xf32, #tpu.memory_space<hbm>> -> memref<10000x128xf32, #tpu.memory_space<hbm>>
    tpu.enqueue_indirect_dma source(%dma_start3A_10 : memref<10000x128xf32, #tpu.memory_space<hbm>>) target(%arg9 : memref<80x128xf32, #tpu.memory_space<vmem>>) offsets(%dma_start3A_7 : memref<80xi32, #tpu.memory_space<vmem>>) semaphore(%arg12 : memref<!tpu.dma_semaphore, #tpu.memory_space<semaphore_mem>>)
    %scan3A = arith.constant 0 : i32
    %scan3A_11 = arith.constant 62 : i32
    %scan3A_12 = arith.addi %scan3A, %scan3A_11 : i32
    %scan3A_13 = arith.constant 1 : i32
    scf.for %scan3A_30 = %scan3A to %scan3A_12 step %scan3A_13  : i32 {
      %mul3A_31 = arith.constant 2 : i32
      %mul3A_32 = arith.muli %scan3A_30, %mul3A_31 : i32
      %add3A_33 = arith.constant 0 : i32
      %add3A_34 = arith.addi %add3A_33, %mul3A_32 : i32
      %add3A_35 = arith.constant 1 : i32
      %add3A_36 = arith.addi %add3A_34, %add3A_35 : i32
      %mul3A_37 = arith.constant 80 : i32
      %mul3A_38 = arith.muli %add3A_36, %mul3A_37 : i32
      %dma_start3A_39 = tpu.memref_slice %arg7[%mul3A_38] : memref<10000xi32, #tpu.memory_space<vmem>> -> memref<80xi32, #tpu.memory_space<vmem>>
      %dma_start3A_40 = arith.constant 0 : i32
      %dma_start3A_41 = arith.constant 0 : i32
      %dma_start3A_42 = tpu.memref_slice %arg4[%dma_start3A_40, %dma_start3A_41] : memref<10000x128xf32, #tpu.memory_space<hbm>> -> memref<10000x128xf32, #tpu.memory_space<hbm>>
      tpu.enqueue_indirect_dma source(%dma_start3A_42 : memref<10000x128xf32, #tpu.memory_space<hbm>>) target(%arg10 : memref<80x128xf32, #tpu.memory_space<vmem>>) offsets(%dma_start3A_39 : memref<80xi32, #tpu.memory_space<vmem>>) semaphore(%arg13 : memref<!tpu.dma_semaphore, #tpu.memory_space<semaphore_mem>>)
      %dma_wait3A_43 = arith.constant 0 : i32
      %dma_wait3A_44 = tpu.memref_slice %arg7[%dma_wait3A_43] : memref<10000xi32, #tpu.memory_space<vmem>> -> memref<80xi32, #tpu.memory_space<vmem>>
      %dma_wait3A_45 = arith.constant 0 : i32
      %dma_wait3A_46 = arith.constant 0 : i32
      %dma_wait3A_47 = tpu.memref_slice %arg4[%dma_wait3A_45, %dma_wait3A_46] : memref<10000x128xf32, #tpu.memory_space<hbm>> -> memref<10000x128xf32, #tpu.memory_space<hbm>>
      tpu.wait_indirect_dma semaphore(%arg12 : memref<!tpu.dma_semaphore, #tpu.memory_space<semaphore_mem>>) src(%dma_wait3A_47 : memref<10000x128xf32, #tpu.memory_space<hbm>>) dst(%arg9 : memref<80x128xf32, #tpu.memory_space<vmem>>)
      "tpu.region"() ({
        %run_scoped3A_63 = tpu.sem_alloc : memref<!tpu.dma_semaphore, #tpu.memory_space<semaphore_mem>>
        %dma_start3A_64 = arith.constant 0 : i32
        %dma_start3A_65 = tpu.memref_slice %arg8[%add3A_34, %dma_start3A_64] : memref<125x80xi32, #tpu.memory_space<vmem>> -> memref<1x80xi32, #tpu.memory_space<vmem>>
        %dma_start3A_66 = tpu.memref_squeeze %dma_start3A_65 : memref<1x80xi32, #tpu.memory_space<vmem>> -> memref<80xi32, #tpu.memory_space<vmem>>
        %dma_start3A_67 = arith.constant 0 : i32
        %dma_start3A_68 = arith.constant 0 : i32
        %dma_start3A_69 = tpu.memref_slice %arg11[%dma_start3A_67, %dma_start3A_68] : memref<10000x128xf32, #tpu.memory_space<vmem_shared>> -> memref<10000x128xf32, #tpu.memory_space<vmem_shared>>
        tpu.enqueue_indirect_dma source(%arg9 : memref<80x128xf32, #tpu.memory_space<vmem>>) target(%dma_start3A_69 : memref<10000x128xf32, #tpu.memory_space<vmem_shared>>) offsets(%dma_start3A_66 : memref<80xi32, #tpu.memory_space<vmem>>) semaphore(%run_scoped3A_63 : memref<!tpu.dma_semaphore, #tpu.memory_space<semaphore_mem>>) {add = true}
        %dma_wait3A_70 = arith.constant 0 : i32
        %dma_wait3A_71 = tpu.memref_slice %arg8[%add3A_34, %dma_wait3A_70] : memref<125x80xi32, #tpu.memory_space<vmem>> -> memref<1x80xi32, #tpu.memory_space<vmem>>
        %dma_wait3A_72 = tpu.memref_squeeze %dma_wait3A_71 : memref<1x80xi32, #tpu.memory_space<vmem>> -> memref<80xi32, #tpu.memory_space<vmem>>
        %dma_wait3A_73 = arith.constant 0 : i32
        %dma_wait3A_74 = arith.constant 0 : i32
        %dma_wait3A_75 = tpu.memref_slice %arg11[%dma_wait3A_73, %dma_wait3A_74] : memref<10000x128xf32, #tpu.memory_space<vmem_shared>> -> memref<10000x128xf32, #tpu.memory_space<vmem_shared>>
        tpu.wait_indirect_dma semaphore(%run_scoped3A_63 : memref<!tpu.dma_semaphore, #tpu.memory_space<semaphore_mem>>) src(%arg9 : memref<80x128xf32, #tpu.memory_space<vmem>>) dst(%dma_wait3A_75 : memref<10000x128xf32, #tpu.memory_space<vmem_shared>>)
        tpu.yield
      }) : () -> ()
      %add3A_48 = arith.constant 2 : i32
      %add3A_49 = arith.addi %add3A_34, %add3A_48 : i32
      %mul3A_50 = arith.constant 80 : i32
      %mul3A_51 = arith.muli %add3A_49, %mul3A_50 : i32
      %dma_start3A_52 = tpu.memref_slice %arg7[%mul3A_51] : memref<10000xi32, #tpu.memory_space<vmem>> -> memref<80xi32, #tpu.memory_space<vmem>>
      %dma_start3A_53 = arith.constant 0 : i32
      %dma_start3A_54 = arith.constant 0 : i32
      %dma_start3A_55 = tpu.memref_slice %arg4[%dma_start3A_53, %dma_start3A_54] : memref<10000x128xf32, #tpu.memory_space<hbm>> -> memref<10000x128xf32, #tpu.memory_space<hbm>>
      tpu.enqueue_indirect_dma source(%dma_start3A_55 : memref<10000x128xf32, #tpu.memory_space<hbm>>) target(%arg9 : memref<80x128xf32, #tpu.memory_space<vmem>>) offsets(%dma_start3A_52 : memref<80xi32, #tpu.memory_space<vmem>>) semaphore(%arg12 : memref<!tpu.dma_semaphore, #tpu.memory_space<semaphore_mem>>)
      %dma_wait3A_56 = arith.constant 0 : i32
      %dma_wait3A_57 = tpu.memref_slice %arg7[%dma_wait3A_56] : memref<10000xi32, #tpu.memory_space<vmem>> -> memref<80xi32, #tpu.memory_space<vmem>>
      %dma_wait3A_58 = arith.constant 0 : i32
      %dma_wait3A_59 = arith.constant 0 : i32
      %dma_wait3A_60 = tpu.memref_slice %arg4[%dma_wait3A_58, %dma_wait3A_59] : memref<10000x128xf32, #tpu.memory_space<hbm>> -> memref<10000x128xf32, #tpu.memory_space<hbm>>
      tpu.wait_indirect_dma semaphore(%arg13 : memref<!tpu.dma_semaphore, #tpu.memory_space<semaphore_mem>>) src(%dma_wait3A_60 : memref<10000x128xf32, #tpu.memory_space<hbm>>) dst(%arg10 : memref<80x128xf32, #tpu.memory_space<vmem>>)
      %add3A_61 = arith.constant 1 : i32
      %add3A_62 = arith.addi %add3A_34, %add3A_61 : i32
      "tpu.region"() ({
        %run_scoped3A_63 = tpu.sem_alloc : memref<!tpu.dma_semaphore, #tpu.memory_space<semaphore_mem>>
        %dma_start3A_64 = arith.constant 0 : i32
        %dma_start3A_65 = tpu.memref_slice %arg8[%add3A_62, %dma_start3A_64] : memref<125x80xi32, #tpu.memory_space<vmem>> -> memref<1x80xi32, #tpu.memory_space<vmem>>
        %dma_start3A_66 = tpu.memref_squeeze %dma_start3A_65 : memref<1x80xi32, #tpu.memory_space<vmem>> -> memref<80xi32, #tpu.memory_space<vmem>>
        %dma_start3A_67 = arith.constant 0 : i32
        %dma_start3A_68 = arith.constant 0 : i32
        %dma_start3A_69 = tpu.memref_slice %arg11[%dma_start3A_67, %dma_start3A_68] : memref<10000x128xf32, #tpu.memory_space<vmem_shared>> -> memref<10000x128xf32, #tpu.memory_space<vmem_shared>>
        tpu.enqueue_indirect_dma source(%arg10 : memref<80x128xf32, #tpu.memory_space<vmem>>) target(%dma_start3A_69 : memref<10000x128xf32, #tpu.memory_space<vmem_shared>>) offsets(%dma_start3A_66 : memref<80xi32, #tpu.memory_space<vmem>>) semaphore(%run_scoped3A_63 : memref<!tpu.dma_semaphore, #tpu.memory_space<semaphore_mem>>) {add = true}
        %dma_wait3A_70 = arith.constant 0 : i32
        %dma_wait3A_71 = tpu.memref_slice %arg8[%add3A_62, %dma_wait3A_70] : memref<125x80xi32, #tpu.memory_space<vmem>> -> memref<1x80xi32, #tpu.memory_space<vmem>>
        %dma_wait3A_72 = tpu.memref_squeeze %dma_wait3A_71 : memref<1x80xi32, #tpu.memory_space<vmem>> -> memref<80xi32, #tpu.memory_space<vmem>>
        %dma_wait3A_73 = arith.constant 0 : i32
        %dma_wait3A_74 = arith.constant 0 : i32
        %dma_wait3A_75 = tpu.memref_slice %arg11[%dma_wait3A_73, %dma_wait3A_74] : memref<10000x128xf32, #tpu.memory_space<vmem_shared>> -> memref<10000x128xf32, #tpu.memory_space<vmem_shared>>
        tpu.wait_indirect_dma semaphore(%run_scoped3A_63 : memref<!tpu.dma_semaphore, #tpu.memory_space<semaphore_mem>>) src(%arg10 : memref<80x128xf32, #tpu.memory_space<vmem>>) dst(%dma_wait3A_75 : memref<10000x128xf32, #tpu.memory_space<vmem_shared>>)
        tpu.yield
      }) : () -> ()
    }
    %scan3A_14 = arith.constant 62 : i32
    %dma_wait3A = arith.constant 0 : i32
    %dma_wait3A_15 = tpu.memref_slice %arg7[%dma_wait3A] : memref<10000xi32, #tpu.memory_space<vmem>> -> memref<80xi32, #tpu.memory_space<vmem>>
    %dma_wait3A_16 = arith.constant 0 : i32
    %dma_wait3A_17 = arith.constant 0 : i32
    %dma_wait3A_18 = tpu.memref_slice %arg4[%dma_wait3A_16, %dma_wait3A_17] : memref<10000x128xf32, #tpu.memory_space<hbm>> -> memref<10000x128xf32, #tpu.memory_space<hbm>>
    tpu.wait_indirect_dma semaphore(%arg12 : memref<!tpu.dma_semaphore, #tpu.memory_space<semaphore_mem>>) src(%dma_wait3A_18 : memref<10000x128xf32, #tpu.memory_space<hbm>>) dst(%arg9 : memref<80x128xf32, #tpu.memory_space<vmem>>)
    %run_scoped3A = arith.constant 124 : i32
    "tpu.region"() ({
      %run_scoped3A_30 = tpu.sem_alloc : memref<!tpu.dma_semaphore, #tpu.memory_space<semaphore_mem>>
      %dma_start3A_31 = arith.constant 0 : i32
      %dma_start3A_32 = tpu.memref_slice %arg8[%run_scoped3A, %dma_start3A_31] : memref<125x80xi32, #tpu.memory_space<vmem>> -> memref<1x80xi32, #tpu.memory_space<vmem>>
      %dma_start3A_33 = tpu.memref_squeeze %dma_start3A_32 : memref<1x80xi32, #tpu.memory_space<vmem>> -> memref<80xi32, #tpu.memory_space<vmem>>
      %dma_start3A_34 = arith.constant 0 : i32
      %dma_start3A_35 = arith.constant 0 : i32
      %dma_start3A_36 = tpu.memref_slice %arg11[%dma_start3A_34, %dma_start3A_35] : memref<10000x128xf32, #tpu.memory_space<vmem_shared>> -> memref<10000x128xf32, #tpu.memory_space<vmem_shared>>
      tpu.enqueue_indirect_dma source(%arg9 : memref<80x128xf32, #tpu.memory_space<vmem>>) target(%dma_start3A_36 : memref<10000x128xf32, #tpu.memory_space<vmem_shared>>) offsets(%dma_start3A_33 : memref<80xi32, #tpu.memory_space<vmem>>) semaphore(%run_scoped3A_30 : memref<!tpu.dma_semaphore, #tpu.memory_space<semaphore_mem>>) {add = true}
      %dma_wait3A_37 = arith.constant 0 : i32
      %dma_wait3A_38 = tpu.memref_slice %arg8[%run_scoped3A, %dma_wait3A_37] : memref<125x80xi32, #tpu.memory_space<vmem>> -> memref<1x80xi32, #tpu.memory_space<vmem>>
      %dma_wait3A_39 = tpu.memref_squeeze %dma_wait3A_38 : memref<1x80xi32, #tpu.memory_space<vmem>> -> memref<80xi32, #tpu.memory_space<vmem>>
      %dma_wait3A_40 = arith.constant 0 : i32
      %dma_wait3A_41 = arith.constant 0 : i32
      %dma_wait3A_42 = tpu.memref_slice %arg11[%dma_wait3A_40, %dma_wait3A_41] : memref<10000x128xf32, #tpu.memory_space<vmem_shared>> -> memref<10000x128xf32, #tpu.memory_space<vmem_shared>>
      tpu.wait_indirect_dma semaphore(%run_scoped3A_30 : memref<!tpu.dma_semaphore, #tpu.memory_space<semaphore_mem>>) src(%arg9 : memref<80x128xf32, #tpu.memory_space<vmem>>) dst(%dma_wait3A_42 : memref<10000x128xf32, #tpu.memory_space<vmem_shared>>)
      tpu.yield
    }) : () -> ()
    %barrier3A_19 = arith.constant 0 : index
    tpu.barrier barrier_id(%barrier3A_19)
    %lt3A_20 = arith.constant 15 : i32
    %lt3A_21 = arith.cmpi slt, %arg1, %lt3A_20 : i32
    %convert_element_type3A_22 = arith.extui %lt3A_21 : i1 to i32
    %cond3A_23 = arith.constant 0 : i32
    %cond3A_24 = arith.cmpi ne, %convert_element_type3A_22, %cond3A_23 : i32
    scf.if %cond3A_24 {
      %mul3A_30 = arith.constant 624 : i32
      %mul3A_31 = arith.muli %arg1, %mul3A_30 : i32
      %mul3A_32 = arith.constant 624 : i32
      %mul3A_33 = arith.muli %arg1, %mul3A_32 : i32
      "tpu.region"() ({
        %run_scoped3A_34 = tpu.sem_alloc : memref<!tpu.dma_semaphore, #tpu.memory_space<semaphore_mem>>
        %dma_start3A_35 = arith.constant 0 : i32
        %dma_start3A_36 = arith.constant 0 : i32
        %dma_start3A_37 = tpu.memref_slice %arg6[%arg0, %dma_start3A_35, %dma_start3A_36] : memref<2x10000x128xf32, #tpu.memory_space<hbm>> -> memref<1x10000x128xf32, #tpu.memory_space<hbm>>
        %dma_start3A_38 = tpu.memref_squeeze %dma_start3A_37 : memref<1x10000x128xf32, #tpu.memory_space<hbm>> -> memref<10000x128xf32, #tpu.memory_space<hbm>>
        %dma_start3A_39 = arith.constant 0 : i32
        %dma_start3A_40 = tpu.memref_slice %dma_start3A_38[%mul3A_33, %dma_start3A_39] : memref<10000x128xf32, #tpu.memory_space<hbm>> -> memref<624x128xf32, #tpu.memory_space<hbm>>
        %dma_start3A_41 = arith.constant 0 : i32
        %dma_start3A_42 = tpu.memref_slice %arg11[%mul3A_31, %dma_start3A_41] : memref<10000x128xf32, #tpu.memory_space<vmem_shared>> -> memref<624x128xf32, #tpu.memory_space<vmem_shared>>
        tpu.enqueue_dma source(%dma_start3A_42 : memref<624x128xf32, #tpu.memory_space<vmem_shared>>) target(%dma_start3A_40 : memref<624x128xf32, #tpu.memory_space<hbm>>) target_semaphore(%run_scoped3A_34 : memref<!tpu.dma_semaphore, #tpu.memory_space<semaphore_mem>>)
        %dma_wait3A_43 = arith.constant 0 : i32
        %dma_wait3A_44 = arith.constant 0 : i32
        %dma_wait3A_45 = tpu.memref_slice %arg6[%arg0, %dma_wait3A_43, %dma_wait3A_44] : memref<2x10000x128xf32, #tpu.memory_space<hbm>> -> memref<1x10000x128xf32, #tpu.memory_space<hbm>>
        %dma_wait3A_46 = tpu.memref_squeeze %dma_wait3A_45 : memref<1x10000x128xf32, #tpu.memory_space<hbm>> -> memref<10000x128xf32, #tpu.memory_space<hbm>>
        %dma_wait3A_47 = arith.constant 0 : i32
        %dma_wait3A_48 = tpu.memref_slice %dma_wait3A_46[%mul3A_33, %dma_wait3A_47] : memref<10000x128xf32, #tpu.memory_space<hbm>> -> memref<624x128xf32, #tpu.memory_space<hbm>>
        %dma_wait3A_49 = arith.constant 0 : i32
        %dma_wait3A_50 = tpu.memref_slice %arg11[%mul3A_31, %dma_wait3A_49] : memref<10000x128xf32, #tpu.memory_space<vmem_shared>> -> memref<624x128xf32, #tpu.memory_space<vmem_shared>>
        tpu.wait_dma2 semaphore(%run_scoped3A_34 : memref<!tpu.dma_semaphore, #tpu.memory_space<semaphore_mem>>) src(%dma_wait3A_50 : memref<624x128xf32, #tpu.memory_space<vmem_shared>>) dst(%dma_wait3A_48 : memref<624x128xf32, #tpu.memory_space<hbm>>)
        tpu.yield
      }) : () -> ()
    } else {
    }
    %eq3A_25 = arith.constant 15 : i32
    %eq3A_26 = arith.cmpi eq, %arg1, %eq3A_25 : i32
    %convert_element_type3A_27 = arith.extui %eq3A_26 : i1 to i32
    %cond3A_28 = arith.constant 0 : i32
    %cond3A_29 = arith.cmpi ne, %convert_element_type3A_27, %cond3A_28 : i32
    scf.if %cond3A_29 {
      "tpu.region"() ({
        %run_scoped3A_30 = tpu.sem_alloc : memref<!tpu.dma_semaphore, #tpu.memory_space<semaphore_mem>>
        %dma_start3A_31 = arith.constant 0 : i32
        %dma_start3A_32 = arith.constant 0 : i32
        %dma_start3A_33 = tpu.memref_slice %arg6[%arg0, %dma_start3A_31, %dma_start3A_32] : memref<2x10000x128xf32, #tpu.memory_space<hbm>> -> memref<1x10000x128xf32, #tpu.memory_space<hbm>>
        %dma_start3A_34 = tpu.memref_squeeze %dma_start3A_33 : memref<1x10000x128xf32, #tpu.memory_space<hbm>> -> memref<10000x128xf32, #tpu.memory_space<hbm>>
        %dma_start3A_35 = arith.constant 9360 : i32
        %dma_start3A_36 = arith.constant 0 : i32
        %dma_start3A_37 = tpu.memref_slice %dma_start3A_34[%dma_start3A_35, %dma_start3A_36] : memref<10000x128xf32, #tpu.memory_space<hbm>> -> memref<640x128xf32, #tpu.memory_space<hbm>>
        %dma_start3A_38 = arith.constant 9360 : i32
        %dma_start3A_39 = arith.constant 0 : i32
        %dma_start3A_40 = tpu.memref_slice %arg11[%dma_start3A_38, %dma_start3A_39] : memref<10000x128xf32, #tpu.memory_space<vmem_shared>> -> memref<640x128xf32, #tpu.memory_space<vmem_shared>>
        tpu.enqueue_dma source(%dma_start3A_40 : memref<640x128xf32, #tpu.memory_space<vmem_shared>>) target(%dma_start3A_37 : memref<640x128xf32, #tpu.memory_space<hbm>>) target_semaphore(%run_scoped3A_30 : memref<!tpu.dma_semaphore, #tpu.memory_space<semaphore_mem>>)
        %dma_wait3A_41 = arith.constant 0 : i32
        %dma_wait3A_42 = arith.constant 0 : i32
        %dma_wait3A_43 = tpu.memref_slice %arg6[%arg0, %dma_wait3A_41, %dma_wait3A_42] : memref<2x10000x128xf32, #tpu.memory_space<hbm>> -> memref<1x10000x128xf32, #tpu.memory_space<hbm>>
        %dma_wait3A_44 = tpu.memref_squeeze %dma_wait3A_43 : memref<1x10000x128xf32, #tpu.memory_space<hbm>> -> memref<10000x128xf32, #tpu.memory_space<hbm>>
        %dma_wait3A_45 = arith.constant 9360 : i32
        %dma_wait3A_46 = arith.constant 0 : i32
        %dma_wait3A_47 = tpu.memref_slice %dma_wait3A_44[%dma_wait3A_45, %dma_wait3A_46] : memref<10000x128xf32, #tpu.memory_space<hbm>> -> memref<640x128xf32, #tpu.memory_space<hbm>>
        %dma_wait3A_48 = arith.constant 9360 : i32
        %dma_wait3A_49 = arith.constant 0 : i32
        %dma_wait3A_50 = tpu.memref_slice %arg11[%dma_wait3A_48, %dma_wait3A_49] : memref<10000x128xf32, #tpu.memory_space<vmem_shared>> -> memref<640x128xf32, #tpu.memory_space<vmem_shared>>
        tpu.wait_dma2 semaphore(%run_scoped3A_30 : memref<!tpu.dma_semaphore, #tpu.memory_space<semaphore_mem>>) src(%dma_wait3A_50 : memref<640x128xf32, #tpu.memory_space<vmem_shared>>) dst(%dma_wait3A_47 : memref<640x128xf32, #tpu.memory_space<hbm>>)
        tpu.yield
      }) : () -> ()
    } else {
    }
    return
  }
}

module attributes {stable_mosaic.version = 14 : i64} {
  func.func @_tcmm_body(%arg0: i32, %arg1: memref<400x128xf32, #tpu.memory_space<vmem>>, %arg2: memref<128x128xf32, #tpu.memory_space<vmem>>, %arg3: memref<400x128xf32, #tpu.memory_space<vmem>>) attributes {dimension_semantics = [#tpu.dimension_semantics<arbitrary>], iteration_bounds = array<i64: 25>, scalar_prefetch = 0 : i64, scratch_operands = 0 : i64, tpu.core_type = #tpu.core_type<tc>, window_params = [{transform_indices = @transform_0, window_bounds = array<i64: 400, 128>}, {pipeline_mode = #tpu.pipeline_mode<synchronous>, transform_indices = @transform_1, window_bounds = array<i64: 128, 128>}, {transform_indices = @transform_2, window_bounds = array<i64: 400, 128>}]} {
    %get3A = arith.constant 0 : index
    %get3A_0 = arith.constant 0 : index
    %get3A_1 = vector.load %arg1[%get3A, %get3A_0] : memref<400x128xf32, #tpu.memory_space<vmem>>, vector<400x128xf32>
    %get3A_2 = arith.constant 0 : index
    %get3A_3 = arith.constant 0 : index
    %get3A_4 = vector.load %arg2[%get3A_2, %get3A_3] : memref<128x128xf32, #tpu.memory_space<vmem>>, vector<128x128xf32>
    %dot_general3A = arith.constant dense<0.000000e+00> : vector<400x128xf32>
    %dot_general3A_5 = tpu.matmul %get3A_1, %get3A_4, %dot_general3A {dimension_numbers = #tpu.dot_dimension_numbers<[1], [0], [0], [1], [0, 0, 1, 1], [], []>, transpose_lhs_hint = false} : vector<400x128xf32>, vector<128x128xf32>, vector<400x128xf32> -> vector<400x128xf32>
    %swap3A = arith.constant 0 : index
    %swap3A_6 = arith.constant 0 : index
    %swap3A_7 = vector.load %arg3[%swap3A, %swap3A_6] : memref<400x128xf32, #tpu.memory_space<vmem>>, vector<400x128xf32>
    tpu.vector_store %arg3[%swap3A, %swap3A_6], %dot_general3A_5 {strides = array<i32>} : memref<400x128xf32, #tpu.memory_space<vmem>>, vector<400x128xf32>,
    return
  }
  func.func @transform_0(%arg0: i32) -> (i32, i32) {
    %c0_i32 = arith.constant 0 : i32
    %c0_i32_0 = arith.constant 0 : i32
    return %arg0, %c0_i32 : i32, i32
  }
  func.func @transform_1(%arg0: i32) -> (i32, i32) {
    %c0_i32 = arith.constant 0 : i32
    %c0_i32_0 = arith.constant 0 : i32
    %c0_i32_1 = arith.constant 0 : i32
    return %c0_i32, %c0_i32_0 : i32, i32
  }
  func.func @transform_2(%arg0: i32) -> (i32, i32) {
    %c0_i32 = arith.constant 0 : i32
    %c0_i32_0 = arith.constant 0 : i32
    return %arg0, %c0_i32 : i32, i32
  }
}

module attributes {stable_mosaic.version = 14 : i64} {
  func.func @_tc1_body(%arg0: i32, %arg1: memref<2x400x128xf32, #tpu.memory_space<vmem>>, %arg2: memref<400x128xf32, #tpu.memory_space<vmem>>, %arg3: memref<1x128xf32, #tpu.memory_space<vmem>>, %arg4: memref<400x128xf32, #tpu.memory_space<vmem>>, %arg5: memref<400x128xf32, #tpu.memory_space<vmem>>) attributes {dimension_semantics = [#tpu.dimension_semantics<arbitrary>], iteration_bounds = array<i64: 25>, scalar_prefetch = 0 : i64, scratch_operands = 0 : i64, tpu.core_type = #tpu.core_type<tc>, window_params = [{transform_indices = @transform_0, window_bounds = array<i64: 2, 400, 128>}, {transform_indices = @transform_1, window_bounds = array<i64: 400, 128>}, {pipeline_mode = #tpu.pipeline_mode<synchronous>, transform_indices = @transform_2, window_bounds = array<i64: 1, 128>}, {transform_indices = @transform_3, window_bounds = array<i64: 400, 128>}, {transform_indices = @transform_4, window_bounds = array<i64: 400, 128>}]} {
    %get3A = arith.constant 0 : index
    %get3A_0 = arith.constant 0 : index
    %get3A_1 = arith.constant 0 : index
    %get3A_2 = vector.load %arg1[%get3A, %get3A_0, %get3A_1] : memref<2x400x128xf32, #tpu.memory_space<vmem>>, vector<2x400x128xf32>
    %slice3A = vector.extract_strided_slice %get3A_2 {offsets = [0, 0, 0], sizes = [1, 400, 1], strides = [1, 1, 1]} : vector<2x400x128xf32> to vector<1x400x1xf32>
    %squeeze3A = vector.shape_cast %slice3A : vector<1x400x1xf32> to vector<400xf32>
    %slice3A_3 = vector.extract_strided_slice %get3A_2 {offsets = [1, 0, 0], sizes = [1, 400, 1], strides = [1, 1, 1]} : vector<2x400x128xf32> to vector<1x400x1xf32>
    %squeeze3A_4 = vector.shape_cast %slice3A_3 : vector<1x400x1xf32> to vector<400xf32>
    %add3A = arith.addf %squeeze3A, %squeeze3A_4 : vector<400xf32>
    %add3A_5 = arith.constant 1.000000e+00 : f32
    %add3A_6 = vector.broadcast %add3A_5 : f32 to vector<400xf32>
    %add3A_7 = arith.addf %add3A, %add3A_6 : vector<400xf32>
    %rsqrt3A = math.rsqrt %add3A_7 : vector<400xf32>
    %get3A_8 = arith.constant 0 : index
    %get3A_9 = arith.constant 0 : index
    %get3A_10 = vector.load %arg2[%get3A_8, %get3A_9] : memref<400x128xf32, #tpu.memory_space<vmem>>, vector<400x128xf32>
    %broadcast_in_dim3A = vector.shape_cast %rsqrt3A : vector<400xf32> to vector<400x1xf32>
    %mul3A = vector.broadcast %broadcast_in_dim3A : vector<400x1xf32> to vector<400x128xf32>
    %mul3A_11 = arith.mulf %get3A_10, %mul3A : vector<400x128xf32>
    %swap3A = arith.constant 0 : index
    %swap3A_12 = arith.constant 0 : index
    %swap3A_13 = vector.load %arg4[%swap3A, %swap3A_12] : memref<400x128xf32, #tpu.memory_space<vmem>>, vector<400x128xf32>
    tpu.vector_store %arg4[%swap3A, %swap3A_12], %mul3A_11 {strides = array<i32>} : memref<400x128xf32, #tpu.memory_space<vmem>>, vector<400x128xf32>,
    %div3A = arith.constant 1.000000e+00 : f32
    %div3A_14 = vector.broadcast %div3A : f32 to vector<400xf32>
    %div3A_15 = arith.divf %div3A_14, %add3A_7 : vector<400xf32>
    %broadcast_in_dim3A_16 = vector.shape_cast %div3A_15 : vector<400xf32> to vector<400x1xf32>
    %mul3A_17 = vector.broadcast %broadcast_in_dim3A_16 : vector<400x1xf32> to vector<400x128xf32>
    %mul3A_18 = arith.mulf %get3A_10, %mul3A_17 : vector<400x128xf32>
    %get3A_19 = arith.constant 0 : index
    %get3A_20 = arith.constant 0 : index
    %get3A_21 = vector.load %arg3[%get3A_19, %get3A_20] : memref<1x128xf32, #tpu.memory_space<vmem>>, vector<1x128xf32>
    %add3A_22 = vector.broadcast %get3A_21 : vector<1x128xf32> to vector<400x128xf32>
    %add3A_23 = arith.addf %mul3A_18, %add3A_22 : vector<400x128xf32>
    %swap3A_24 = arith.constant 0 : index
    %swap3A_25 = arith.constant 0 : index
    %swap3A_26 = vector.load %arg5[%swap3A_24, %swap3A_25] : memref<400x128xf32, #tpu.memory_space<vmem>>, vector<400x128xf32>
    tpu.vector_store %arg5[%swap3A_24, %swap3A_25], %add3A_23 {strides = array<i32>} : memref<400x128xf32, #tpu.memory_space<vmem>>, vector<400x128xf32>,
    return
  }
  func.func @transform_0(%arg0: i32) -> (i32, i32, i32) {
    %c0_i32 = arith.constant 0 : i32
    %c0_i32_0 = arith.constant 0 : i32
    %c0_i32_1 = arith.constant 0 : i32
    return %c0_i32, %arg0, %c0_i32_0 : i32, i32, i32
  }
  func.func @transform_1(%arg0: i32) -> (i32, i32) {
    %c0_i32 = arith.constant 0 : i32
    %c0_i32_0 = arith.constant 0 : i32
    return %arg0, %c0_i32 : i32, i32
  }
  func.func @transform_2(%arg0: i32) -> (i32, i32) {
    %c0_i32 = arith.constant 0 : i32
    %c0_i32_0 = arith.constant 0 : i32
    %c0_i32_1 = arith.constant 0 : i32
    return %c0_i32, %c0_i32_0 : i32, i32
  }
  func.func @transform_3(%arg0: i32) -> (i32, i32) {
    %c0_i32 = arith.constant 0 : i32
    %c0_i32_0 = arith.constant 0 : i32
    return %arg0, %c0_i32 : i32, i32
  }
  func.func @transform_4(%arg0: i32) -> (i32, i32) {
    %c0_i32 = arith.constant 0 : i32
    %c0_i32_0 = arith.constant 0 : i32
    return %arg0, %c0_i32 : i32, i32
  }
}

module attributes {stable_mosaic.version = 14 : i64} {
  func.func @_tc2_body(%arg0: i32, %arg1: memref<2x400x128xf32, #tpu.memory_space<vmem>>, %arg2: memref<2x400x128xf32, #tpu.memory_space<vmem>>, %arg3: memref<400x128xf32, #tpu.memory_space<vmem>>, %arg4: memref<128x128xf32, #tpu.memory_space<vmem>>, %arg5: memref<1x128xf32, #tpu.memory_space<vmem>>, %arg6: memref<400x128xf32, #tpu.memory_space<vmem>>, %arg7: memref<400x128xf32, #tpu.memory_space<vmem>>) attributes {dimension_semantics = [#tpu.dimension_semantics<arbitrary>], iteration_bounds = array<i64: 25>, scalar_prefetch = 0 : i64, scratch_operands = 0 : i64, tpu.core_type = #tpu.core_type<tc>, window_params = [{transform_indices = @transform_0, window_bounds = array<i64: 2, 400, 128>}, {transform_indices = @transform_1, window_bounds = array<i64: 2, 400, 128>}, {transform_indices = @transform_2, window_bounds = array<i64: 400, 128>}, {pipeline_mode = #tpu.pipeline_mode<synchronous>, transform_indices = @transform_3, window_bounds = array<i64: 128, 128>}, {pipeline_mode = #tpu.pipeline_mode<synchronous>, transform_indices = @transform_4, window_bounds = array<i64: 1, 128>}, {transform_indices = @transform_5, window_bounds = array<i64: 400, 128>}, {transform_indices = @transform_6, window_bounds = array<i64: 400, 128>}]} {
    %get3A = arith.constant 0 : index
    %get3A_0 = arith.constant 0 : index
    %get3A_1 = arith.constant 0 : index
    %get3A_2 = vector.load %arg2[%get3A, %get3A_0, %get3A_1] : memref<2x400x128xf32, #tpu.memory_space<vmem>>, vector<2x400x128xf32>
    %slice3A = vector.extract_strided_slice %get3A_2 {offsets = [0, 0, 0], sizes = [1, 400, 1], strides = [1, 1, 1]} : vector<2x400x128xf32> to vector<1x400x1xf32>
    %squeeze3A = vector.shape_cast %slice3A : vector<1x400x1xf32> to vector<400xf32>
    %slice3A_3 = vector.extract_strided_slice %get3A_2 {offsets = [1, 0, 0], sizes = [1, 400, 1], strides = [1, 1, 1]} : vector<2x400x128xf32> to vector<1x400x1xf32>
    %squeeze3A_4 = vector.shape_cast %slice3A_3 : vector<1x400x1xf32> to vector<400xf32>
    %add3A = arith.addf %squeeze3A, %squeeze3A_4 : vector<400xf32>
    %add3A_5 = arith.constant 1.000000e+00 : f32
    %add3A_6 = vector.broadcast %add3A_5 : f32 to vector<400xf32>
    %add3A_7 = arith.addf %add3A, %add3A_6 : vector<400xf32>
    %rsqrt3A = math.rsqrt %add3A_7 : vector<400xf32>
    %get3A_8 = arith.constant 0 : index
    %get3A_9 = arith.constant 0 : index
    %get3A_10 = arith.constant 0 : index
    %get3A_11 = vector.load %arg1[%get3A_8, %get3A_9, %get3A_10] : memref<2x400x128xf32, #tpu.memory_space<vmem>>, vector<2x400x128xf32>
    %slice3A_12 = vector.extract_strided_slice %get3A_11 {offsets = [0, 0, 0], sizes = [1, 400, 128], strides = [1, 1, 1]} : vector<2x400x128xf32> to vector<1x400x128xf32>
    %squeeze3A_13 = vector.shape_cast %slice3A_12 : vector<1x400x128xf32> to vector<400x128xf32>
    %slice3A_14 = vector.extract_strided_slice %get3A_11 {offsets = [1, 0, 0], sizes = [1, 400, 128], strides = [1, 1, 1]} : vector<2x400x128xf32> to vector<1x400x128xf32>
    %squeeze3A_15 = vector.shape_cast %slice3A_14 : vector<1x400x128xf32> to vector<400x128xf32>
    %add3A_16 = arith.addf %squeeze3A_13, %squeeze3A_15 : vector<400x128xf32>
    %broadcast_in_dim3A = vector.shape_cast %rsqrt3A : vector<400xf32> to vector<400x1xf32>
    %mul3A = vector.broadcast %broadcast_in_dim3A : vector<400x1xf32> to vector<400x128xf32>
    %mul3A_17 = arith.mulf %add3A_16, %mul3A : vector<400x128xf32>
    %get3A_18 = arith.constant 0 : index
    %get3A_19 = arith.constant 0 : index
    %get3A_20 = vector.load %arg3[%get3A_18, %get3A_19] : memref<400x128xf32, #tpu.memory_space<vmem>>, vector<400x128xf32>
    %add3A_21 = arith.addf %mul3A_17, %get3A_20 : vector<400x128xf32>
    %max3A = arith.constant 0.000000e+00 : f32
    %max3A_22 = vector.broadcast %max3A : f32 to vector<400x128xf32>
    %max3A_23 = arith.maximumf %add3A_21, %max3A_22 : vector<400x128xf32>
    %get3A_24 = arith.constant 0 : index
    %get3A_25 = arith.constant 0 : index
    %get3A_26 = vector.load %arg4[%get3A_24, %get3A_25] : memref<128x128xf32, #tpu.memory_space<vmem>>, vector<128x128xf32>
    %dot_general3A = arith.constant dense<0.000000e+00> : vector<400x128xf32>
    %dot_general3A_27 = tpu.matmul %max3A_23, %get3A_26, %dot_general3A {dimension_numbers = #tpu.dot_dimension_numbers<[1], [0], [0], [1], [0, 0, 1, 1], [], []>, transpose_lhs_hint = false} : vector<400x128xf32>, vector<128x128xf32>, vector<400x128xf32> -> vector<400x128xf32>
    %broadcast_in_dim3A_28 = vector.shape_cast %rsqrt3A : vector<400xf32> to vector<400x1xf32>
    %mul3A_29 = vector.broadcast %broadcast_in_dim3A_28 : vector<400x1xf32> to vector<400x128xf32>
    %mul3A_30 = arith.mulf %dot_general3A_27, %mul3A_29 : vector<400x128xf32>
    %swap3A = arith.constant 0 : index
    %swap3A_31 = arith.constant 0 : index
    %swap3A_32 = vector.load %arg6[%swap3A, %swap3A_31] : memref<400x128xf32, #tpu.memory_space<vmem>>, vector<400x128xf32>
    tpu.vector_store %arg6[%swap3A, %swap3A_31], %mul3A_30 {strides = array<i32>} : memref<400x128xf32, #tpu.memory_space<vmem>>, vector<400x128xf32>,
    %div3A = arith.constant 1.000000e+00 : f32
    %div3A_33 = vector.broadcast %div3A : f32 to vector<400xf32>
    %div3A_34 = arith.divf %div3A_33, %add3A_7 : vector<400xf32>
    %broadcast_in_dim3A_35 = vector.shape_cast %div3A_34 : vector<400xf32> to vector<400x1xf32>
    %mul3A_36 = vector.broadcast %broadcast_in_dim3A_35 : vector<400x1xf32> to vector<400x128xf32>
    %mul3A_37 = arith.mulf %dot_general3A_27, %mul3A_36 : vector<400x128xf32>
    %get3A_38 = arith.constant 0 : index
    %get3A_39 = arith.constant 0 : index
    %get3A_40 = vector.load %arg5[%get3A_38, %get3A_39] : memref<1x128xf32, #tpu.memory_space<vmem>>, vector<1x128xf32>
    %add3A_41 = vector.broadcast %get3A_40 : vector<1x128xf32> to vector<400x128xf32>
    %add3A_42 = arith.addf %mul3A_37, %add3A_41 : vector<400x128xf32>
    %swap3A_43 = arith.constant 0 : index
    %swap3A_44 = arith.constant 0 : index
    %swap3A_45 = vector.load %arg7[%swap3A_43, %swap3A_44] : memref<400x128xf32, #tpu.memory_space<vmem>>, vector<400x128xf32>
    tpu.vector_store %arg7[%swap3A_43, %swap3A_44], %add3A_42 {strides = array<i32>} : memref<400x128xf32, #tpu.memory_space<vmem>>, vector<400x128xf32>,
    return
  }
  func.func @transform_0(%arg0: i32) -> (i32, i32, i32) {
    %c0_i32 = arith.constant 0 : i32
    %c0_i32_0 = arith.constant 0 : i32
    %c0_i32_1 = arith.constant 0 : i32
    return %c0_i32, %arg0, %c0_i32_0 : i32, i32, i32
  }
  func.func @transform_1(%arg0: i32) -> (i32, i32, i32) {
    %c0_i32 = arith.constant 0 : i32
    %c0_i32_0 = arith.constant 0 : i32
    %c0_i32_1 = arith.constant 0 : i32
    return %c0_i32, %arg0, %c0_i32_0 : i32, i32, i32
  }
  func.func @transform_2(%arg0: i32) -> (i32, i32) {
    %c0_i32 = arith.constant 0 : i32
    %c0_i32_0 = arith.constant 0 : i32
    return %arg0, %c0_i32 : i32, i32
  }
  func.func @transform_3(%arg0: i32) -> (i32, i32) {
    %c0_i32 = arith.constant 0 : i32
    %c0_i32_0 = arith.constant 0 : i32
    %c0_i32_1 = arith.constant 0 : i32
    return %c0_i32, %c0_i32_0 : i32, i32
  }
  func.func @transform_4(%arg0: i32) -> (i32, i32) {
    %c0_i32 = arith.constant 0 : i32
    %c0_i32_0 = arith.constant 0 : i32
    %c0_i32_1 = arith.constant 0 : i32
    return %c0_i32, %c0_i32_0 : i32, i32
  }
  func.func @transform_5(%arg0: i32) -> (i32, i32) {
    %c0_i32 = arith.constant 0 : i32
    %c0_i32_0 = arith.constant 0 : i32
    return %arg0, %c0_i32 : i32, i32
  }
  func.func @transform_6(%arg0: i32) -> (i32, i32) {
    %c0_i32 = arith.constant 0 : i32
    %c0_i32_0 = arith.constant 0 : i32
    return %arg0, %c0_i32 : i32, i32
  }
}

module attributes {stable_mosaic.version = 14 : i64} {
  func.func @_tc3_body(%arg0: i32, %arg1: memref<2x400x128xf32, #tpu.memory_space<vmem>>, %arg2: memref<2x400x128xf32, #tpu.memory_space<vmem>>, %arg3: memref<400x128xf32, #tpu.memory_space<vmem>>, %arg4: memref<400x16xf32, #tpu.memory_space<vmem>>, %arg5: memref<128x128xf32, #tpu.memory_space<vmem>>, %arg6: memref<16x128xf32, #tpu.memory_space<vmem>>, %arg7: memref<1x128xf32, #tpu.memory_space<vmem>>, %arg8: memref<1x128xf32, #tpu.memory_space<vmem>>, %arg9: memref<1x1xf32, #tpu.memory_space<vmem>>, %arg10: memref<400x1xf32, #tpu.memory_space<vmem>>) attributes {dimension_semantics = [#tpu.dimension_semantics<arbitrary>], iteration_bounds = array<i64: 25>, scalar_prefetch = 0 : i64, scratch_operands = 0 : i64, tpu.core_type = #tpu.core_type<tc>, window_params = [{transform_indices = @transform_0, window_bounds = array<i64: 2, 400, 128>}, {transform_indices = @transform_1, window_bounds = array<i64: 2, 400, 128>}, {transform_indices = @transform_2, window_bounds = array<i64: 400, 128>}, {transform_indices = @transform_3, window_bounds = array<i64: 400, 16>}, {pipeline_mode = #tpu.pipeline_mode<synchronous>, transform_indices = @transform_4, window_bounds = array<i64: 128, 128>}, {pipeline_mode = #tpu.pipeline_mode<synchronous>, transform_indices = @transform_5, window_bounds = array<i64: 16, 128>}, {pipeline_mode = #tpu.pipeline_mode<synchronous>, transform_indices = @transform_6, window_bounds = array<i64: 1, 128>}, {pipeline_mode = #tpu.pipeline_mode<synchronous>, transform_indices = @transform_7, window_bounds = array<i64: 1, 128>}, {pipeline_mode = #tpu.pipeline_mode<synchronous>, transform_indices = @transform_8, window_bounds = array<i64: 1, 1>}, {transform_indices = @transform_9, window_bounds = array<i64: 400, 1>}]} {
    %get3A = arith.constant 0 : index
    %get3A_0 = arith.constant 0 : index
    %get3A_1 = arith.constant 0 : index
    %get3A_2 = vector.load %arg2[%get3A, %get3A_0, %get3A_1] : memref<2x400x128xf32, #tpu.memory_space<vmem>>, vector<2x400x128xf32>
    %slice3A = vector.extract_strided_slice %get3A_2 {offsets = [0, 0, 0], sizes = [1, 400, 1], strides = [1, 1, 1]} : vector<2x400x128xf32> to vector<1x400x1xf32>
    %squeeze3A = vector.shape_cast %slice3A : vector<1x400x1xf32> to vector<400xf32>
    %slice3A_3 = vector.extract_strided_slice %get3A_2 {offsets = [1, 0, 0], sizes = [1, 400, 1], strides = [1, 1, 1]} : vector<2x400x128xf32> to vector<1x400x1xf32>
    %squeeze3A_4 = vector.shape_cast %slice3A_3 : vector<1x400x1xf32> to vector<400xf32>
    %add3A = arith.addf %squeeze3A, %squeeze3A_4 : vector<400xf32>
    %add3A_5 = arith.constant 1.000000e+00 : f32
    %add3A_6 = vector.broadcast %add3A_5 : f32 to vector<400xf32>
    %add3A_7 = arith.addf %add3A, %add3A_6 : vector<400xf32>
    %rsqrt3A = math.rsqrt %add3A_7 : vector<400xf32>
    %get3A_8 = arith.constant 0 : index
    %get3A_9 = arith.constant 0 : index
    %get3A_10 = arith.constant 0 : index
    %get3A_11 = vector.load %arg1[%get3A_8, %get3A_9, %get3A_10] : memref<2x400x128xf32, #tpu.memory_space<vmem>>, vector<2x400x128xf32>
    %slice3A_12 = vector.extract_strided_slice %get3A_11 {offsets = [0, 0, 0], sizes = [1, 400, 128], strides = [1, 1, 1]} : vector<2x400x128xf32> to vector<1x400x128xf32>
    %squeeze3A_13 = vector.shape_cast %slice3A_12 : vector<1x400x128xf32> to vector<400x128xf32>
    %slice3A_14 = vector.extract_strided_slice %get3A_11 {offsets = [1, 0, 0], sizes = [1, 400, 128], strides = [1, 1, 1]} : vector<2x400x128xf32> to vector<1x400x128xf32>
    %squeeze3A_15 = vector.shape_cast %slice3A_14 : vector<1x400x128xf32> to vector<400x128xf32>
    %add3A_16 = arith.addf %squeeze3A_13, %squeeze3A_15 : vector<400x128xf32>
    %broadcast_in_dim3A = vector.shape_cast %rsqrt3A : vector<400xf32> to vector<400x1xf32>
    %mul3A = vector.broadcast %broadcast_in_dim3A : vector<400x1xf32> to vector<400x128xf32>
    %mul3A_17 = arith.mulf %add3A_16, %mul3A : vector<400x128xf32>
    %get3A_18 = arith.constant 0 : index
    %get3A_19 = arith.constant 0 : index
    %get3A_20 = vector.load %arg3[%get3A_18, %get3A_19] : memref<400x128xf32, #tpu.memory_space<vmem>>, vector<400x128xf32>
    %add3A_21 = arith.addf %mul3A_17, %get3A_20 : vector<400x128xf32>
    %max3A = arith.constant 0.000000e+00 : f32
    %max3A_22 = vector.broadcast %max3A : f32 to vector<400x128xf32>
    %max3A_23 = arith.maximumf %add3A_21, %max3A_22 : vector<400x128xf32>
    %get3A_24 = arith.constant 0 : index
    %get3A_25 = arith.constant 0 : index
    %get3A_26 = vector.load %arg5[%get3A_24, %get3A_25] : memref<128x128xf32, #tpu.memory_space<vmem>>, vector<128x128xf32>
    %dot_general3A = arith.constant dense<0.000000e+00> : vector<400x128xf32>
    %dot_general3A_27 = tpu.matmul %max3A_23, %get3A_26, %dot_general3A {dimension_numbers = #tpu.dot_dimension_numbers<[1], [0], [0], [1], [0, 0, 1, 1], [], []>, transpose_lhs_hint = false} : vector<400x128xf32>, vector<128x128xf32>, vector<400x128xf32> -> vector<400x128xf32>
    %get3A_28 = arith.constant 0 : index
    %get3A_29 = arith.constant 0 : index
    %get3A_30 = vector.load %arg4[%get3A_28, %get3A_29] : memref<400x16xf32, #tpu.memory_space<vmem>>, vector<400x16xf32>
    %get3A_31 = arith.constant 0 : index
    %get3A_32 = arith.constant 0 : index
    %get3A_33 = vector.load %arg6[%get3A_31, %get3A_32] : memref<16x128xf32, #tpu.memory_space<vmem>>, vector<16x128xf32>
    %dot_general3A_34 = arith.constant dense<0.000000e+00> : vector<400x128xf32>
    %dot_general3A_35 = tpu.matmul %get3A_30, %get3A_33, %dot_general3A_34 {dimension_numbers = #tpu.dot_dimension_numbers<[1], [0], [0], [1], [0, 0, 1, 1], [], []>, transpose_lhs_hint = false} : vector<400x16xf32>, vector<16x128xf32>, vector<400x128xf32> -> vector<400x128xf32>
    %add3A_36 = arith.addf %dot_general3A_27, %dot_general3A_35 : vector<400x128xf32>
    %get3A_37 = arith.constant 0 : index
    %get3A_38 = arith.constant 0 : index
    %get3A_39 = vector.load %arg7[%get3A_37, %get3A_38] : memref<1x128xf32, #tpu.memory_space<vmem>>, vector<1x128xf32>
    %add3A_40 = vector.broadcast %get3A_39 : vector<1x128xf32> to vector<400x128xf32>
    %add3A_41 = arith.addf %add3A_36, %add3A_40 : vector<400x128xf32>
    %max3A_42 = arith.constant 0.000000e+00 : f32
    %max3A_43 = vector.broadcast %max3A_42 : f32 to vector<400x128xf32>
    %max3A_44 = arith.maximumf %add3A_41, %max3A_43 : vector<400x128xf32>
    %get3A_45 = arith.constant 0 : index
    %get3A_46 = arith.constant 0 : index
    %get3A_47 = vector.load %arg8[%get3A_45, %get3A_46] : memref<1x128xf32, #tpu.memory_space<vmem>>, vector<1x128xf32>
    %mul3A_48 = vector.broadcast %get3A_47 : vector<1x128xf32> to vector<400x128xf32>
    %mul3A_49 = arith.mulf %max3A_44, %mul3A_48 : vector<400x128xf32>
    %reduce_sum3A = arith.constant dense<0.000000e+00> : vector<400xf32>
    %reduce_sum3A_50 = vector.multi_reduction <add>, %mul3A_49, %reduce_sum3A [1] : vector<400x128xf32> to vector<400xf32>
    %get3A_51 = arith.constant 0 : index
    %get3A_52 = arith.constant 0 : index
    %get3A_53 = vector.load %arg9[%get3A_51, %get3A_52] : memref<1x1xf32, #tpu.memory_space<vmem>>, vector<1x1xf32>
    %get3A_54 = vector.extract %get3A_53[0, 0] : f32 from vector<1x1xf32>
    %add3A_55 = vector.broadcast %get3A_54 : f32 to vector<400xf32>
    %add3A_56 = arith.addf %reduce_sum3A_50, %add3A_55 : vector<400xf32>
    %broadcast_in_dim3A_57 = vector.shape_cast %add3A_56 : vector<400xf32> to vector<400x1xf32>
    %swap3A = arith.constant 0 : index
    %swap3A_58 = arith.constant 0 : index
    %swap3A_59 = vector.load %arg10[%swap3A, %swap3A_58] : memref<400x1xf32, #tpu.memory_space<vmem>>, vector<400x1xf32>
    tpu.vector_store %arg10[%swap3A, %swap3A_58], %broadcast_in_dim3A_57 {strides = array<i32>} : memref<400x1xf32, #tpu.memory_space<vmem>>, vector<400x1xf32>,
    return
  }
  func.func @transform_0(%arg0: i32) -> (i32, i32, i32) {
    %c0_i32 = arith.constant 0 : i32
    %c0_i32_0 = arith.constant 0 : i32
    %c0_i32_1 = arith.constant 0 : i32
    return %c0_i32, %arg0, %c0_i32_0 : i32, i32, i32
  }
  func.func @transform_1(%arg0: i32) -> (i32, i32, i32) {
    %c0_i32 = arith.constant 0 : i32
    %c0_i32_0 = arith.constant 0 : i32
    %c0_i32_1 = arith.constant 0 : i32
    return %c0_i32, %arg0, %c0_i32_0 : i32, i32, i32
  }
  func.func @transform_2(%arg0: i32) -> (i32, i32) {
    %c0_i32 = arith.constant 0 : i32
    %c0_i32_0 = arith.constant 0 : i32
    return %arg0, %c0_i32 : i32, i32
  }
  func.func @transform_3(%arg0: i32) -> (i32, i32) {
    %c0_i32 = arith.constant 0 : i32
    %c0_i32_0 = arith.constant 0 : i32
    return %arg0, %c0_i32 : i32, i32
  }
  func.func @transform_4(%arg0: i32) -> (i32, i32) {
    %c0_i32 = arith.constant 0 : i32
    %c0_i32_0 = arith.constant 0 : i32
    %c0_i32_1 = arith.constant 0 : i32
    return %c0_i32, %c0_i32_0 : i32, i32
  }
  func.func @transform_5(%arg0: i32) -> (i32, i32) {
    %c0_i32 = arith.constant 0 : i32
    %c0_i32_0 = arith.constant 0 : i32
    %c0_i32_1 = arith.constant 0 : i32
    return %c0_i32, %c0_i32_0 : i32, i32
  }
  func.func @transform_6(%arg0: i32) -> (i32, i32) {
    %c0_i32 = arith.constant 0 : i32
    %c0_i32_0 = arith.constant 0 : i32
    %c0_i32_1 = arith.constant 0 : i32
    return %c0_i32, %c0_i32_0 : i32, i32
  }
  func.func @transform_7(%arg0: i32) -> (i32, i32) {
    %c0_i32 = arith.constant 0 : i32
    %c0_i32_0 = arith.constant 0 : i32
    %c0_i32_1 = arith.constant 0 : i32
    return %c0_i32, %c0_i32_0 : i32, i32
  }
  func.func @transform_8(%arg0: i32) -> (i32, i32) {
    %c0_i32 = arith.constant 0 : i32
    %c0_i32_0 = arith.constant 0 : i32
    %c0_i32_1 = arith.constant 0 : i32
    return %c0_i32, %c0_i32_0 : i32, i32
  }
  func.func @transform_9(%arg0: i32) -> (i32, i32) {
    %c0_i32 = arith.constant 0 : i32
    %c0_i32_0 = arith.constant 0 : i32
    return %arg0, %c0_i32 : i32, i32
  }
}

</mosaic_0001>

<sc_bundles>
// kernel: kernel.12.cloned.1.call-start
scs
__scs_entry_jumppad:
0x0: {  	(pc) =	sbr.rel $0x88, $3  }
0x1: {  	(tag) =	ssettag $0x0;
	lr =	simm.s32 $0x1  }
0x2: {  	[smem:$0x3F96] =	sst lr;
	_ =	strace $0xD0000000  }
0x3: {  	_ = 	snop  }
0x4: {  	_ = 	snop  }
0x5: {  	_ = 	snop  }
0x6: {  	_ = 	snop  }
0x7: {  	_ = 	snop  }
__scs_overlays_trampoline_lowered:
0x8: {  	[smem:$0x3FA5] =	sst s0  }
0x9: {  	[smem:$0x3FA6] =	sst s1  }
0xa: {  	[smem:$0x3FA7] =	sst s2  }
0xb: {  	[smem:$0x3FA8] =	sst s3  }
0xc: {  	[smem:$0x3FA9] =	sst s4  }
0xd: {  	[smem:$0x3FAA] =	sst s5  }
0xe: {  	[smem:$0x3FAB] =	sst s6  }
0xf: {  	[smem:$0x3FAC] =	sst s7  }
0x10: {  	[smem:$0x3FAD] =	sst s8  }
0x11: {  	[smem:$0x3FAE] =	sst s9;
	s0 =	simm.s32 @!p0 $0x0  }
0x12: {  	s1 =	sld [smem:$0x3F94];
	s0 =	simm.s32 @p0 $0x1  }
0x13: {  	[smem:$0x3FAF] =	sst s0;
	s0 =	simm.s32 @!p1 $0x0  }
0x14: {  	s2 =	sld [smem:$0x3F93];
	s0 =	simm.s32 @p1 $0x1  }
0x15: {  	[smem:$0x3FB0] =	sst s0;
	s0 =	simm.s32 @!p2 $0x0  }
0x16: {  	s3 =	sld [smem:$0x3FDB];
	s0 =	simm.s32 @p2 $0x1  }
0x17: {  	s4 =	simm.s32 $0x1BF5;
	[smem:$0x3FB2] =	sst s0  }
0x18: {  	s0 =	sld [smem:$0x3F95];
	_ =	swait.ge [sflag:s4], $0x0  }
0x19: {  	s7 =	sld [smem:$0x3F96]  }
0x1a: {  	s8 =	sadd.s32 $0xFFFFE003, lr  }
0x1b: {  	s9 =	sadd.s32 $0xFFFFFEF7, lr;
	s5 =	simm.s32 $0xFFFFFFFF;
	p2 =	slt.u32 s8, $0xFFFFF086  }
0x1c: {  	p1 =	slt.u32 s9, $0xF7A;
	s5 =	simm.s32 @!p2 $0x0  }
0x1d: {  	s5 =	simm.s32 @p1 $0x1;
	p0 =	seq.s32 s7, s2  }
0x1e: {  	s7 =	smul.u32 @!p0 $0xF7A, s2;
	p2 =	seq.s32 @!p0 s5, $0x0  }
0x1f: {  	s9 =	smul.u32 $0xF7A, s1;
	s8 =	simm.s32 @!p0 $0x1BF5;
	p2 =	por !p2, p0  }
0x20: {  	[sflag:s8] =	ssyncset.s32 @!p0 $0xFFFFF086;
	s6 =	sadd.s32 @!p0 s3, s7;
	s7 =	simm.s32 @!p0 $0x108  }
0x21: {  	s3 =	sadd.s32 s3, s9;
	s6 =	sadd.s32 @!p0 $0x88, s6;
	s7 =	simm.s32 @p2 $0x1082  }
0x22: {  	[simem:s7], [sflag:s8] =	dma.local @!p0 [hbm:s6], $0xF7A  }
0x23: {  	s9 =	sor.u32 $0xD0000000, s2;
	s6 =	simm.s32 $0x108;
	_ =	swait.ge @!p0 [sflag:s8], $0x0  }
0x24: {  	s3 =	sadd.s32 $0x88, s3;
	s6 =	simm.s32 @!p1 $0x1082;
	[sflag:s4] =	ssyncset.s32 $0xFFFFF086  }
0x25: {  	[simem:s6], [sflag:s4] =	dma.local [hbm:s3], $0xF7A  }
0x26: {  	[smem:$0x3F96] =	sst s1;
	(tag) =	ssettag s2;
	_ =	strace s9  }
0x27: {  	s1 =	sld [smem:$0x3FA6]  }
0x28: {  	s2 =	sld [smem:$0x3FA7]  }
0x29: {  	s4 =	sld [smem:$0x3FA9]  }
0x2a: {  	p0 =	seq.s32 s5, $0x0;
	s5 =	sld [smem:$0x3FAA]  }
0x2b: {  	s6 =	sld [smem:$0x3FAB]  }
0x2c: {  	s7 =	sld [smem:$0x3FAC]  }
0x2d: {  	s3 =	simm.s32 $0x108;
	s8 =	sld [smem:$0x3FAD]  }
0x2e: {  	s3 =	simm.s32 @!p0 $0x1082;
	s9 =	sld [smem:$0x3FAE]  }
0x2f: {  	lr =	sadd.s32 s0, s3;
	s0 =	sld [smem:$0x3FA5]  }
0x30: {  	s3 =	sld [smem:$0x3FA8]  }
0x31: {  	[smem:$0x3FB1] =	sst s10  }
0x32: {  	s10 =	sld [smem:$0x3FAF];
	_ =	sdelay $0x3  }
0x33: {  	p0 =	seq.s32 s10, $0x1;
	s10 =	sld [smem:$0x3FB1];
	_ =	sdelay $0x3  }
0x34: {  	[smem:$0x3FB1] =	sst s10  }
0x35: {  	s10 =	sld [smem:$0x3FB0];
	_ =	sdelay $0x3  }
0x36: {  	p1 =	seq.s32 s10, $0x1;
	s10 =	sld [smem:$0x3FB1];
	_ =	sdelay $0x3  }
0x37: {  	[smem:$0x3FB1] =	sst s10  }
0x38: {  	s10 =	sld [smem:$0x3FB2]  }
0x39: {  	_ = 	snop;
	(pc) =	sbr.ind lr, $3  }
0x3a: {  	_ = 	snop  }
0x3b: {  	_ = 	snop  }
0x3c: {  	p2 =	seq.s32 s10, $0x1;
	s10 =	sld [smem:$0x3FB1]  }
0x3d: {  	_ =	shalt  }
0x3e: {  	_ =	shalt  }
0x3f: {  	_ =	shalt  }
0x40: {  	_ =	shalt  }
0x41: {  	_ =	shalt  }
0x42: {  	_ =	shalt  }
0x43: {  	_ =	shalt  }
0x44: {  	_ =	shalt  }
0x45: {  	_ =	shalt  }
0x46: {  	_ =	shalt  }
0x47: {  	_ =	shalt  }
0x48: {  	_ =	shalt  }
0x49: {  	_ =	shalt  }
0x4a: {  	_ =	shalt  }
0x4b: {  	_ =	shalt  }
0x4c: {  	_ =	shalt  }
0x4d: {  	_ =	shalt  }
0x4e: {  	_ =	shalt  }
0x4f: {  	_ =	shalt  }
0x50: {  	_ =	shalt  }
0x51: {  	_ =	shalt  }
0x52: {  	_ =	shalt  }
0x53: {  	_ =	shalt  }
0x54: {  	_ =	shalt  }
0x55: {  	_ =	shalt  }
0x56: {  	_ =	shalt  }
0x57: {  	_ =	shalt  }
0x58: {  	_ =	shalt  }
0x59: {  	_ =	shalt  }
0x5a: {  	_ =	shalt  }
0x5b: {  	_ =	shalt  }
0x5c: {  	_ =	shalt  }
0x5d: {  	_ =	shalt  }
0x5e: {  	_ =	shalt  }
0x5f: {  	_ =	shalt  }
0x60: {  	_ =	shalt  }
0x61: {  	_ =	shalt  }
0x62: {  	_ =	shalt  }
0x63: {  	_ =	shalt  }
0x64: {  	_ =	shalt  }
0x65: {  	_ =	shalt  }
0x66: {  	_ =	shalt  }
0x67: {  	_ =	shalt  }
0x68: {  	_ =	shalt  }
0x69: {  	_ =	shalt  }
0x6a: {  	_ =	shalt  }
0x6b: {  	_ =	shalt  }
0x6c: {  	_ =	shalt  }
0x6d: {  	_ =	shalt  }
0x6e: {  	_ =	shalt  }
0x6f: {  	_ =	shalt  }
0x70: {  	_ =	shalt  }
0x71: {  	_ =	shalt  }
0x72: {  	_ =	shalt  }
0x73: {  	_ =	shalt  }
0x74: {  	_ =	shalt  }
0x75: {  	_ =	shalt  }
0x76: {  	_ =	shalt  }
0x77: {  	_ =	shalt  }
0x78: {  	_ =	shalt  }
0x79: {  	_ =	shalt  }
0x7a: {  	_ =	shalt  }
0x7b: {  	_ =	shalt  }
0x7c: {  	_ =	shalt  }
0x7d: {  	_ =	shalt  }
0x7e: {  	_ =	shalt  }
0x7f: {  	_ =	shalt  }
0x80: {  	_ =	shalt  }
0x81: {  	_ =	shalt  }
0x82: {  	_ =	shalt  }
0x83: {  	_ =	shalt  }
0x84: {  	_ =	shalt  }
0x85: {  	_ =	shalt  }
0x86: {  	_ =	shalt  }
0x87: {  	_ =	shalt  }
.Lfunc_end0:
.L_simem_size_0:
called_computation.1_lowered:
.L_overlay_start_0:
0x88: {  	s2 =	sld [smem:$0x3FD9]  }
0x89: {  	s3 =	sld [smem:$0x3FFE];
	_ =	sdelay $0x1  }
0x8a: {  	s1 =	srdreg.scid  }
0x8b: {  	s0 =	sand.u32 $0x1, s1  }
0x8c: {  	s16 =	sshll.u32 s0, $0xA;
	s2 =	sadd.s32 s3, s2  }
0x8d: {  	s2 =	sadd.s32 s2, s16  }
0x8e: {  	[smem:$0x3FBD] =	sst s2  }
0x8f: {  	_ = 	snop  }
0x90: {  	(tm) =	ssettm $0x1  }
0x91: {  	s17 =	sld [smem:$0x3FFB];
	_ =	sdelay $0x3  }
0x92: {  	_ =	strace s17  }
0x93: {  	s2 =	sld [smem:$0x3FFC];
	_ =	sdelay $0x3  }
0x94: {  	_ =	strace s2  }
0x95: {  	s2 =	sld [smem:$0x3FFD];
	_ =	sdelay $0x3  }
0x96: {  	_ =	strace s2  }
0x97: {  	_ =	strace $0x8FFFFFFF  }
0x98: {  	s18 =	sld [smem:$0x3FDB];
	_ =	sdelay $0x1  }
0x99: {  	s19 =	simm.s32 $_scs_section_size  }
0x9a: {  	s4 =	simm.s32 $_size__tile_overlayer_lowered;
	s5 =	simm.s32 $_tile_overlayer_lowered  }
0x9b: {  	s22 =	simm.s32 $0x1BFF;
	s21 =	sshll.u32 s5, $0x1;
	s2 =	sadd.s32 s19, s18  }
0x9c: {  	s6 =	simm.s32 $0x0;
	s20 =	sshll.u32 s4, $0x1;
	s4 =	sadd.s32 s21, s2  }
0x9d: {  	[timem:s6], [sflag:s22] =	dma.local [hbm:s4], s20  }
0x9e: {  	_ =	swait.ge [sflag:s22], s20  }
0x9f: {  	s3 =	ssub.s32 $0x0, s20;
	[sflag:s22] =	ssyncset.done $0x0  }
0xa0: {  	[sflag:s22] =	ssyncadd.s32 s3;
	_ =	sdelay $0x1  }
0xa1: {  	s23 =	simm.s32 $0x1B8B  }
0xa2: {  	_ =	swait.ge [sflag:s23], $0x1  }
0xa3: {  	[sflag:s23] =	ssyncset.done $0x0  }
0xa4: {  	s25 =	simm.s32 $0x1B8E;
	s24 =	sld [smem:$0x3FFE];
	[sflag:s23] =	ssyncadd.s32 $0xFFFFFFFF  }
0xa5: {  	s26 =	simm.s32 $execute0_lowered;
	[smem:$0x3FD2] =	sst s25  }
0xa6: {  	s4 =	sshll.u32 s26, $0x1;
	_ =	strace $0x80000049;
	[dreg:$0x1] =	wrdreg $0xFFFFFFFF  }
0xa7: {  	s28 =	simm.s32 $_size_execute0_lowered;
	s2 =	sadd.s32 s2, s4;
	[dreg:$0x0] =	wrdreg $0x0  }
0xa8: {  	s4 =	sshll.u32 s28, $0x1;
	[dreg:$0x2] =	wrdreg s2  }
0xa9: {  	[dreg:$0x3] =	wrdreg s4  }
0xaa: {  	[dreg:$0x4] =	wrdreg $0xC0  }
0xab: {  	_ =	task [dreg:s6], $0x5FFFF  }
0xac: {  	[dreg:$0x1] =	wrdreg $0xFFFFFFFF  }
0xad: {  	[dreg:$0x0] =	wrdreg $0x60  }
0xae: {  	[dreg:$0x2] =	wrdreg s24  }
0xaf: {  	[dreg:$0x3] =	wrdreg $0xB7800  }
0xb0: {  	[dreg:$0x4] =	wrdreg $0x9  }
0xb1: {  	_ =	task.clear_ibuf [dreg:s6], $0x5FFFF;
	_ =	strace $0x90000049  }
0xb2: {  	s29 =	simm.s32 $0x9;
	_ =	strace $0x8000004B  }
0xb3: {  	_ =	swait.ge [sflag:s29], $0x1  }
0xb4: {  	[sflag:s29] =	ssyncadd.s32 $0xFFFFFFFF  }
0xb5: {  	_ =	strace $0x9000004B  }
0xb6: {  	_ =	sfence  }
0xb7: {  	s30 =	sld [smem:$0x0];
	_ =	sdelay $0x2  }
0xb8: {  	s31 =	sshll.u32 s1, $0xD;
	s1 =	sshrl.u32 s1, $0x2  }
0xb9: {  	s3 =	sand.u32 $0x4000, s31;
	s1 =	sadd.s32 s1, s30  }
0xba: {  	s0 =	sor.u32 s3, s0;
	s1 =	sshll.u32 s1, $0x11  }
0xbb: {  	s0 =	sor.u32 s1, s0  }
0xbc: {  	s0 =	sadd.s32 $0x8F2B, s0  }
0xbd: {  	[sflag:s0] =	ssyncadd.remote.s32 $0x1  }
0xbe: {  	_ =	sfence.sel $0xFFFF  }
0xbf: {  	[dreg:$0x0] =	wrdreg $0xFFFFFFFF;
	(pc) =	sbr.abs _section_cstart, $3  }
0xc0: {  	[dreg:$0x1] =	wrdreg $0xFFFFFFFF  }
0xc1: {  	_ =	task.clear_ibuf [dreg:s6], $0x2FFFF;
	_ =	strace $0x9FFFFFFF  }
0xc2: {  	(tm) =	ssettm $0x7FFFFFFF  }
0xc3: {  	_ =	shalt  }
tec
execute0_lowered:
.L_overlay_start_1:
0x0: {  	(tag) =	ssettag $0x1  }
0x1: {  	s9 =	rddreg [dreg:$0x0]  }
0x2: {  	s0 =	srdreg.scid;
	s2 =	rddreg [dreg:$0x1]  }
0x3: {  	s3 =	simm.s32 $0x0;
	s15 =	simm.s32 $0x2780;
	s19 =	simm.s32 $0x50  }
0x4: {  	s20 =	simm.s32 $0x6780;
	s21 =	simm.s32 $0x8F80;
	s22 =	simm.s32 $0x1  }
0x5: {  	s23 =	simm.s32 $0x2;
	s24 =	simm.s32 $0x6580;
	s25 =	simm.s32 $0x0  }
0x6: {  	s5 =	sand.u32 $0x1, s0;
	s0 =	stileid.u32;
	[smem:$0x7FF] =	sst s3  }
0x7: {  	s16 =	sadd.s32 $0x124800, s2;
	s1 =	sshll.u32 s5, $0x4;
	s8 =	smul.u32 $0x27100, s5  }
0x8: {  	s7 =	sshll.u32 s0, $0x7;
	s30 =	ssub.s32 $0x2, s5;
	s11 =	smul.u32 $0x4E000, s0  }
0x9: {  	s5 =	sadd.s32 $0x91000, s9;
	p0 =	seq.s32 s0, $0xF;
	s6 =	sor.u32 s0, s1  }
0xa: {  	s7 =	sand.u32 $0x380, s7;
	s13 =	sshrl.u32 s30, $0x1;
	s16 =	sshrl.u32 @p0 s16, $0x3  }
0xb: {  	s17 =	sshll.u32 @!p0 s0, $0x6;
	s1 =	sshrl.u32 s6, $0x3;
	s6 =	sshll.u32 s6, $0xB  }
0xc: {  	s14 =	sadd.s32 s8, s9;
	s13 =	ssub.s32 s30, s13;
	s4 =	smul.u32 $0x13C00, s1  }
0xd: {  	s31 =	sshrl.u32 s11, $0x2;
	s17 =	sor.u32 @!p0 $0x1C03, s17;
	s1 =	rddreg [dreg:$0x2]  }
0xe: {  	_ =	strace $0x8000004A;
	s10 =	sadd.s32 s6, s9;
	s4 =	sor.u32 s7, s4  }
0xf: {  	s18 =	sadd.s32 s31, s2;
	s7 =	sshrl.u32 s4, $0x3;
	s4 =	smul.u32 $0x2700, s0  }
0x10: {  	s11 =	smax.u32 s13, $0x1;
	s13 =	simm.s32 $0x400;
	s7 =	sadd.s32 s7, s9  }
0x11: {  	s18 =	sshrl.u32 @!p0 s18, $0x3;
	s12 =	sadd.s32 s4, s9;
	s6 =	sadd.s32 $0x87200, s7  }
0x12: {  	s7 =	sadd.s32 $0x1E00, s10;
	s9 =	sadd.s32 $0x36700, s9;
	s10 =	sadd.s32 $0xB8200, s14  }
0x13: {  	s14 =	simm.s32 $0x3;
	s8 =	sadd.s32 $0x11E00, s12;
	s12 =	simm.s32 $0x80  }
.LBB2_1:
0x14: {  	[tilespmem:s3], [sflag:$0x3] =	stream.strided.gather [hbm4b:s6+s12], $0x2780, s13, s12, $0x38;
	[tilespmem:$0x1F000] =	vst v63  }
0x15: {  	_ =	swait.ge [sflag:s14], $0x2780  }
0x16: {  	[sflag:s14] =	ssyncset.done $0x0  }
0x17: {  	[sflag:s14] =	ssyncadd.s32 $0xFFFFD880  }
0x18: {  	[tilespmem:s15], [sflag:$0x3] =	stream.linear.gather [hbm4b:s7+s3], $0x3E80, $0x38;
	[tilespmem:$0x1F000] =	vst v63  }
0x19: {  	_ =	swait.ge [sflag:s14], $0x3E80  }
0x1a: {  	[sflag:s14] =	ssyncset.done $0x0  }
0x1b: {  	s26 =	simm.s32 @p0 $0x1FC3;
	[sflag:s14] =	ssyncadd.s32 $0xFFFFC180  }
0x1c: {  	[spmem:s16], [sflag:s26] =	dma.local @p0 [hbm:s9], $0x2800  }
0x1d: {  	s26 =	simm.s32 @p0 $0x3  }
0x1e: {  	_ =	swait.ge @p0 [sflag:s26], $0x2800  }
0x1f: {  	[sflag:s26] =	ssyncset.done @p0 $0x0  }
0x20: {  	[sflag:s26] =	ssyncadd.s32 @p0 $0xFFFFD800;
	s26 =	simm.s32 @!p0 $0x3  }
0x21: {  	[spmem:s18], [sflag:s17] =	dma.local @!p0 [hbm:s8], $0x2700  }
0x22: {  	_ =	swait.ge @!p0 [sflag:s26], $0x2700  }
0x23: {  	[sflag:s26] =	ssyncset.done @!p0 $0x0  }
0x24: {  	[sflag:s26] =	ssyncadd.s32 @!p0 $0xFFFFD900  }
0x25: {  	[bflag:$0x0] =	sbarrier.arrive $0xFFFF  }
0x26: {  	[tilespmem:s20], [sflag:$0x1] =	stream.indirect.gather [hbm4b:s5+s19], $0x80, s3, s19, $0xb8;
	[tilespmem:$0x1F000] =	vst v63  }
0x27: {  	s30 =	simm.s32 $0x50  }
0x28: {  	[tilespmem:s21], [sflag:$0x2] =	stream.indirect.gather [hbm4b:s5+s19], $0x80, s30, s19, $0xb8;
	[tilespmem:$0x1F000] =	vst v63  }
0x29: {  	_ =	swait.ge [sflag:s22], $0x2800  }
0x2a: {  	[sflag:s22] =	ssyncset.done $0x0  }
0x2b: {  	s31 =	simm.s32 $0x2780;
	[sflag:s22] =	ssyncadd.s32 $0xFFFFD800  }
0x2c: {  	[spmem:s2] =	stream.indirect.scatter.add.f32 [tilespmem:s20], [sflag:$0x3], $0x80, s31, s19, $0xb8;
	[tilespmem:$0x1F000] =	vst v63  }
0x2d: {  	_ =	swait.ge [sflag:s14], $0x2800  }
0x2e: {  	[sflag:s14] =	ssyncset.done $0x0  }
0x2f: {  	s30 =	simm.s32 $0xA0;
	[sflag:s14] =	ssyncadd.s32 $0xFFFFD800  }
0x30: {  	[tilespmem:s20], [sflag:$0x1] =	stream.indirect.gather [hbm4b:s5+s19], $0x80, s30, s19, $0xb8;
	[tilespmem:$0x1F000] =	vst v63  }
0x31: {  	_ =	swait.ge [sflag:s23], $0x2800  }
0x32: {  	[sflag:s23] =	ssyncset.done $0x0  }
0x33: {  	s31 =	simm.s32 $0x2800;
	[sflag:s23] =	ssyncadd.s32 $0xFFFFD800  }
0x34: {  	[spmem:s2] =	stream.indirect.scatter.add.f32 [tilespmem:s21], [sflag:$0x3], $0x80, s31, s19, $0xb8;
	[tilespmem:$0x1F000] =	vst v63  }
0x35: {  	s28 =	simm.s32 $0x400;
	_ =	swait.ge [sflag:s14], $0x2800  }
0x36: {  	s29 =	simm.s32 $0x800;
	s26 =	simm.s32 $0x140;
	[sflag:s14] =	ssyncset.done $0x0  }
.LBB2_2:
0x37: {  	p1 =	sne.s32 s29, $0xF400;
	s30 =	sadd.s32 $0xFFFFFFB0, s26;
	[sflag:s14] =	ssyncadd.s32 $0xFFFFD800  }
0x38: {  	[tilespmem:s21], [sflag:$0x2] =	stream.indirect.gather [hbm4b:s5+s19], $0x80, s30, s19, $0xb8;
	[tilespmem:$0x1F000] =	vst v63  }
0x39: {  	s30 =	smov.u32 s29;
	s29 =	sadd.s32 $0x400, s29;
	_ =	swait.ge [sflag:s22], $0x2800  }
0x3a: {  	s31 =	sshra.s32 s28, $0x2;
	s28 =	smov.u32 s30;
	[sflag:s22] =	ssyncset.done $0x0  }
0x3b: {  	s30 =	sadd.s32 $0x2780, s31;
	[sflag:s22] =	ssyncadd.s32 $0xFFFFD800  }
0x3c: {  	[spmem:s2] =	stream.indirect.scatter.add.f32 [tilespmem:s20], [sflag:$0x3], $0x80, s30, s19, $0xb8;
	[tilespmem:$0x1F000] =	vst v63  }
0x3d: {  	_ =	swait.ge [sflag:s14], $0x2800  }
0x3e: {  	[sflag:s14] =	ssyncset.done $0x0  }
0x3f: {  	[sflag:s14] =	ssyncadd.s32 $0xFFFFD800  }
0x40: {  	[tilespmem:s20], [sflag:$0x1] =	stream.indirect.gather [hbm4b:s5+s19], $0x80, s26, s19, $0xb8;
	[tilespmem:$0x1F000] =	vst v63  }
0x41: {  	_ =	swait.ge [sflag:s23], $0x2800  }
.Ltmp0:
0x42: {  	[sflag:s23] =	ssyncset.done $0x0;
	(pc) =	sbr.rel @p1 .LBB2_2-.Ltmp0, $4  }
0x43: {  	s30 =	sadd.s32 $0x2800, s31;
	[sflag:s23] =	ssyncadd.s32 $0xFFFFD800  }
0x44: {  	[spmem:s2] =	stream.indirect.scatter.add.f32 [tilespmem:s21], [sflag:$0x3], $0x80, s30, s19, $0xb8;
	[tilespmem:$0x1F000] =	vst v63  }
0x45: {  	_ =	swait.ge [sflag:s14], $0x2800  }
0x46: {  	s26 =	sadd.s32 $0xA0, s26;
	[sflag:s14] =	ssyncset.done $0x0  }
0x47: {  	s29 =	sadd.s32 $0xFFFFFFB0, s26;
	[sflag:s14] =	ssyncadd.s32 $0xFFFFD800  }
0x48: {  	[tilespmem:s21], [sflag:$0x2] =	stream.indirect.gather [hbm4b:s5+s19], $0x80, s29, s19, $0xb8;
	[tilespmem:$0x1F000] =	vst v63  }
0x49: {  	_ =	swait.ge [sflag:s22], $0x2800  }
0x4a: {  	s28 =	sshra.s32 s28, $0x2;
	[sflag:s22] =	ssyncset.done $0x0  }
0x4b: {  	s30 =	sadd.s32 $0x2780, s28;
	[sflag:s22] =	ssyncadd.s32 $0xFFFFD800  }
0x4c: {  	[spmem:s2] =	stream.indirect.scatter.add.f32 [tilespmem:s20], [sflag:$0x3], $0x80, s30, s19, $0xb8;
	[tilespmem:$0x1F000] =	vst v63  }
0x4d: {  	_ =	swait.ge [sflag:s14], $0x2800  }
0x4e: {  	[sflag:s14] =	ssyncset.done $0x0  }
0x4f: {  	[sflag:s14] =	ssyncadd.s32 $0xFFFFD800  }
0x50: {  	[tilespmem:s20], [sflag:$0x1] =	stream.indirect.gather [hbm4b:s5+s19], $0x80, s26, s19, $0xb8;
	[tilespmem:$0x1F000] =	vst v63  }
0x51: {  	_ =	swait.ge [sflag:s23], $0x2800  }
0x52: {  	[sflag:s23] =	ssyncset.done $0x0  }
0x53: {  	s31 =	sadd.s32 $0x2800, s28;
	[sflag:s23] =	ssyncadd.s32 $0xFFFFD800  }
0x54: {  	[spmem:s2] =	stream.indirect.scatter.add.f32 [tilespmem:s21], [sflag:$0x3], $0x80, s31, s19, $0xb8;
	[tilespmem:$0x1F000] =	vst v63  }
0x55: {  	_ =	swait.ge [sflag:s14], $0x2800  }
0x56: {  	[sflag:s14] =	ssyncset.done $0x0  }
0x57: {  	[sflag:s14] =	ssyncadd.s32 $0xFFFFD800  }
0x58: {  	_ =	swait.ge [sflag:s22], $0x2800  }
0x59: {  	[sflag:s22] =	ssyncset.done $0x0  }
0x5a: {  	[sflag:s22] =	ssyncadd.s32 $0xFFFFD800  }
0x5b: {  	[spmem:s2] =	stream.indirect.scatter.add.f32 [tilespmem:s20], [sflag:$0x3], $0x80, s24, s19, $0xb8;
	[tilespmem:$0x1F000] =	vst v63  }
0x5c: {  	_ =	swait.ge [sflag:s14], $0x2800  }
0x5d: {  	[sflag:s14] =	ssyncset.done $0x0  }
0x5e: {  	[sflag:s14] =	ssyncadd.s32 $0xFFFFD800  }
0x5f: {  	s28 =	simm.s32 @p0 $0x1FC3;
	s26 =	sadd.s32 @p0 $0x24900, s10;
	[bflag:$0x0] =	sbarrier.arrive $0xFFFF  }
0x60: {  	[hbm:s26], [sflag:s28] =	dma.local @p0 [spmem:s16], $0x2800  }
0x61: {  	s26 =	simm.s32 @p0 $0x3  }
0x62: {  	_ =	swait.ge @p0 [sflag:s26], $0x2800  }
0x63: {  	s25 =	sadd.s32 $0x1, s25;
	[sflag:s26] =	ssyncset.done @p0 $0x0  }
0x64: {  	p1 =	sne.s32 s25, s11;
	[sflag:s26] =	ssyncadd.s32 @p0 $0xFFFFD800;
	s26 =	sadd.s32 @!p0 s4, s10  }
0x65: {  	[hbm:s26], [sflag:s17] =	dma.local @!p0 [spmem:s18], $0x2700  }
.Ltmp1:
0x66: {  	_ = 	snop;
	(pc) =	sbr.rel @p1 .LBB2_1-.Ltmp1, $4  }
0x67: {  	s26 =	simm.s32 @!p0 $0x3  }
0x68: {  	_ =	swait.ge @!p0 [sflag:s26], $0x2700  }
0x69: {  	[sflag:s26] =	ssyncset.done @!p0 $0x0  }
0x6a: {  	[sflag:s26] =	ssyncadd.s32 @!p0 $0xFFFFD900  }
0x6b: {  	_ =	sfence.sel $0x180000  }
0x6c: {  	[bflag:$0x0] =	sbarrier.arrive $0xFFFF  }
0x6d: {  	p0 =	sne.s32 s0, $0x0;
	_ =	strace $0x9000004A  }
0x6e: {  	s0 =	sadd.s32 @!p0 $0x100000, s1;
	[bflag:$0x2] =	sbarrier.arrive $0xFFFF  }
0x6f: {  	[sflag:s0] =	ssyncadd.tile.s32 @!p0 $0x1;
	_ =	shalt  }
.Lfunc_end2:
_tile_overlayer_lowered:
.L_overlay_start_2:
0x70: {  	(tag) =	ssettag $0x2  }
0x71: {  	s0 =	rddreg [dreg:$0x0];
	s2 =	stileid.u32  }
0x72: {  	s1 =	rddreg [dreg:$0x1];
	p0 =	sne.s32 s2, $0x0  }
0x73: {  	s3 =	rddreg [dreg:$0x2];
	[bflag:$0x3] =	sbarrier.arrive $0xFFFF;
	s2 =	simm.s32 @!p0 $0x1C03  }
0x74: {  	[timem:s3], [sflag:s2] =	dma.local @!p0 [hbm:s0], s1  }
0x75: {  	s0 =	simm.s32 @!p0 $0x3  }
0x76: {  	_ =	swait.ge @!p0 [sflag:s0], s1  }
0x77: {  	s1 =	ssub.s32 @!p0 $0x0, s1;
	[sflag:s0] =	ssyncset.done @!p0 $0x0  }
0x78: {  	[sflag:s0] =	ssyncadd.s32 @!p0 s1  }
0x79: {  	[bflag:$0x3] =	sbarrier.arrive $0xFFFF  }
0x7a: {  	_ =	shalt  }

// kernel: kernel.15.cloned.1.call-start
scs
__scs_entry_jumppad:
0x0: {  	(pc) =	sbr.rel $0x88, $3  }
0x1: {  	(tag) =	ssettag $0x0;
	lr =	simm.s32 $0x1  }
0x2: {  	[smem:$0x3F96] =	sst lr;
	_ =	strace $0xD0000000  }
0x3: {  	_ = 	snop  }
0x4: {  	_ = 	snop  }
0x5: {  	_ = 	snop  }
0x6: {  	_ = 	snop  }
0x7: {  	_ = 	snop  }
__scs_overlays_trampoline_lowered:
0x8: {  	[smem:$0x3FA5] =	sst s0  }
0x9: {  	[smem:$0x3FA6] =	sst s1  }
0xa: {  	[smem:$0x3FA7] =	sst s2  }
0xb: {  	[smem:$0x3FA8] =	sst s3  }
0xc: {  	[smem:$0x3FA9] =	sst s4  }
0xd: {  	[smem:$0x3FAA] =	sst s5  }
0xe: {  	[smem:$0x3FAB] =	sst s6  }
0xf: {  	[smem:$0x3FAC] =	sst s7  }
0x10: {  	[smem:$0x3FAD] =	sst s8  }
0x11: {  	[smem:$0x3FAE] =	sst s9;
	s0 =	simm.s32 @!p0 $0x0  }
0x12: {  	s1 =	sld [smem:$0x3F94];
	s0 =	simm.s32 @p0 $0x1  }
0x13: {  	[smem:$0x3FAF] =	sst s0;
	s0 =	simm.s32 @!p1 $0x0  }
0x14: {  	s2 =	sld [smem:$0x3F93];
	s0 =	simm.s32 @p1 $0x1  }
0x15: {  	[smem:$0x3FB0] =	sst s0;
	s0 =	simm.s32 @!p2 $0x0  }
0x16: {  	s3 =	sld [smem:$0x3FDB];
	s0 =	simm.s32 @p2 $0x1  }
0x17: {  	s4 =	simm.s32 $0x1BF5;
	[smem:$0x3FB2] =	sst s0  }
0x18: {  	s0 =	sld [smem:$0x3F95];
	_ =	swait.ge [sflag:s4], $0x0  }
0x19: {  	s7 =	sld [smem:$0x3F96]  }
0x1a: {  	s8 =	sadd.s32 $0xFFFFE003, lr  }
0x1b: {  	s9 =	sadd.s32 $0xFFFFFEF7, lr;
	s5 =	simm.s32 $0xFFFFFFFF;
	p2 =	slt.u32 s8, $0xFFFFF086  }
0x1c: {  	p1 =	slt.u32 s9, $0xF7A;
	s5 =	simm.s32 @!p2 $0x0  }
0x1d: {  	s5 =	simm.s32 @p1 $0x1;
	p0 =	seq.s32 s7, s2  }
0x1e: {  	s7 =	smul.u32 @!p0 $0xF7A, s2;
	p2 =	seq.s32 @!p0 s5, $0x0  }
0x1f: {  	s9 =	smul.u32 $0xF7A, s1;
	s8 =	simm.s32 @!p0 $0x1BF5;
	p2 =	por !p2, p0  }
0x20: {  	[sflag:s8] =	ssyncset.s32 @!p0 $0xFFFFF086;
	s6 =	sadd.s32 @!p0 s3, s7;
	s7 =	simm.s32 @!p0 $0x108  }
0x21: {  	s3 =	sadd.s32 s3, s9;
	s6 =	sadd.s32 @!p0 $0x88, s6;
	s7 =	simm.s32 @p2 $0x1082  }
0x22: {  	[simem:s7], [sflag:s8] =	dma.local @!p0 [hbm:s6], $0xF7A  }
0x23: {  	s9 =	sor.u32 $0xD0000000, s2;
	s6 =	simm.s32 $0x108;
	_ =	swait.ge @!p0 [sflag:s8], $0x0  }
0x24: {  	s3 =	sadd.s32 $0x88, s3;
	s6 =	simm.s32 @!p1 $0x1082;
	[sflag:s4] =	ssyncset.s32 $0xFFFFF086  }
0x25: {  	[simem:s6], [sflag:s4] =	dma.local [hbm:s3], $0xF7A  }
0x26: {  	[smem:$0x3F96] =	sst s1;
	(tag) =	ssettag s2;
	_ =	strace s9  }
0x27: {  	s1 =	sld [smem:$0x3FA6]  }
0x28: {  	s2 =	sld [smem:$0x3FA7]  }
0x29: {  	s4 =	sld [smem:$0x3FA9]  }
0x2a: {  	p0 =	seq.s32 s5, $0x0;
	s5 =	sld [smem:$0x3FAA]  }
0x2b: {  	s6 =	sld [smem:$0x3FAB]  }
0x2c: {  	s7 =	sld [smem:$0x3FAC]  }
0x2d: {  	s3 =	simm.s32 $0x108;
	s8 =	sld [smem:$0x3FAD]  }
0x2e: {  	s3 =	simm.s32 @!p0 $0x1082;
	s9 =	sld [smem:$0x3FAE]  }
0x2f: {  	lr =	sadd.s32 s0, s3;
	s0 =	sld [smem:$0x3FA5]  }
0x30: {  	s3 =	sld [smem:$0x3FA8]  }
0x31: {  	[smem:$0x3FB1] =	sst s10  }
0x32: {  	s10 =	sld [smem:$0x3FAF];
	_ =	sdelay $0x3  }
0x33: {  	p0 =	seq.s32 s10, $0x1;
	s10 =	sld [smem:$0x3FB1];
	_ =	sdelay $0x3  }
0x34: {  	[smem:$0x3FB1] =	sst s10  }
0x35: {  	s10 =	sld [smem:$0x3FB0];
	_ =	sdelay $0x3  }
0x36: {  	p1 =	seq.s32 s10, $0x1;
	s10 =	sld [smem:$0x3FB1];
	_ =	sdelay $0x3  }
0x37: {  	[smem:$0x3FB1] =	sst s10  }
0x38: {  	s10 =	sld [smem:$0x3FB2]  }
0x39: {  	_ = 	snop;
	(pc) =	sbr.ind lr, $3  }
0x3a: {  	_ = 	snop  }
0x3b: {  	_ = 	snop  }
0x3c: {  	p2 =	seq.s32 s10, $0x1;
	s10 =	sld [smem:$0x3FB1]  }
0x3d: {  	_ =	shalt  }
0x3e: {  	_ =	shalt  }
0x3f: {  	_ =	shalt  }
0x40: {  	_ =	shalt  }
0x41: {  	_ =	shalt  }
0x42: {  	_ =	shalt  }
0x43: {  	_ =	shalt  }
0x44: {  	_ =	shalt  }
0x45: {  	_ =	shalt  }
0x46: {  	_ =	shalt  }
0x47: {  	_ =	shalt  }
0x48: {  	_ =	shalt  }
0x49: {  	_ =	shalt  }
0x4a: {  	_ =	shalt  }
0x4b: {  	_ =	shalt  }
0x4c: {  	_ =	shalt  }
0x4d: {  	_ =	shalt  }
0x4e: {  	_ =	shalt  }
0x4f: {  	_ =	shalt  }
0x50: {  	_ =	shalt  }
0x51: {  	_ =	shalt  }
0x52: {  	_ =	shalt  }
0x53: {  	_ =	shalt  }
0x54: {  	_ =	shalt  }
0x55: {  	_ =	shalt  }
0x56: {  	_ =	shalt  }
0x57: {  	_ =	shalt  }
0x58: {  	_ =	shalt  }
0x59: {  	_ =	shalt  }
0x5a: {  	_ =	shalt  }
0x5b: {  	_ =	shalt  }
0x5c: {  	_ =	shalt  }
0x5d: {  	_ =	shalt  }
0x5e: {  	_ =	shalt  }
0x5f: {  	_ =	shalt  }
0x60: {  	_ =	shalt  }
0x61: {  	_ =	shalt  }
0x62: {  	_ =	shalt  }
0x63: {  	_ =	shalt  }
0x64: {  	_ =	shalt  }
0x65: {  	_ =	shalt  }
0x66: {  	_ =	shalt  }
0x67: {  	_ =	shalt  }
0x68: {  	_ =	shalt  }
0x69: {  	_ =	shalt  }
0x6a: {  	_ =	shalt  }
0x6b: {  	_ =	shalt  }
0x6c: {  	_ =	shalt  }
0x6d: {  	_ =	shalt  }
0x6e: {  	_ =	shalt  }
0x6f: {  	_ =	shalt  }
0x70: {  	_ =	shalt  }
0x71: {  	_ =	shalt  }
0x72: {  	_ =	shalt  }
0x73: {  	_ =	shalt  }
0x74: {  	_ =	shalt  }
0x75: {  	_ =	shalt  }
0x76: {  	_ =	shalt  }
0x77: {  	_ =	shalt  }
0x78: {  	_ =	shalt  }
0x79: {  	_ =	shalt  }
0x7a: {  	_ =	shalt  }
0x7b: {  	_ =	shalt  }
0x7c: {  	_ =	shalt  }
0x7d: {  	_ =	shalt  }
0x7e: {  	_ =	shalt  }
0x7f: {  	_ =	shalt  }
0x80: {  	_ =	shalt  }
0x81: {  	_ =	shalt  }
0x82: {  	_ =	shalt  }
0x83: {  	_ =	shalt  }
0x84: {  	_ =	shalt  }
0x85: {  	_ =	shalt  }
0x86: {  	_ =	shalt  }
0x87: {  	_ =	shalt  }
.Lfunc_end0:
.L_simem_size_0:
called_computation.2_lowered:
.L_overlay_start_0:
0x88: {  	s2 =	sld [smem:$0x3FD9]  }
0x89: {  	s3 =	sld [smem:$0x3FFE];
	_ =	sdelay $0x1  }
0x8a: {  	s1 =	srdreg.scid  }
0x8b: {  	s0 =	sand.u32 $0x1, s1  }
0x8c: {  	s16 =	sshll.u32 s0, $0xA;
	s2 =	sadd.s32 s3, s2  }
0x8d: {  	s2 =	sadd.s32 s2, s16  }
0x8e: {  	[smem:$0x3FBD] =	sst s2  }
0x8f: {  	_ = 	snop  }
0x90: {  	(tm) =	ssettm $0x1  }
0x91: {  	s17 =	sld [smem:$0x3FFB];
	_ =	sdelay $0x3  }
0x92: {  	_ =	strace s17  }
0x93: {  	s2 =	sld [smem:$0x3FFC];
	_ =	sdelay $0x3  }
0x94: {  	_ =	strace s2  }
0x95: {  	s2 =	sld [smem:$0x3FFD];
	_ =	sdelay $0x3  }
0x96: {  	_ =	strace s2  }
0x97: {  	_ =	strace $0x8FFFFFFF  }
0x98: {  	s18 =	sld [smem:$0x3FDB];
	_ =	sdelay $0x1  }
0x99: {  	s19 =	simm.s32 $_scs_section_size  }
0x9a: {  	s4 =	simm.s32 $_size__tile_overlayer_lowered;
	s5 =	simm.s32 $_tile_overlayer_lowered  }
0x9b: {  	s22 =	simm.s32 $0x1BFF;
	s21 =	sshll.u32 s5, $0x1;
	s2 =	sadd.s32 s19, s18  }
0x9c: {  	s6 =	simm.s32 $0x0;
	s20 =	sshll.u32 s4, $0x1;
	s4 =	sadd.s32 s21, s2  }
0x9d: {  	[timem:s6], [sflag:s22] =	dma.local [hbm:s4], s20  }
0x9e: {  	_ =	swait.ge [sflag:s22], s20  }
0x9f: {  	s3 =	ssub.s32 $0x0, s20;
	[sflag:s22] =	ssyncset.done $0x0  }
0xa0: {  	[sflag:s22] =	ssyncadd.s32 s3;
	_ =	sdelay $0x1  }
0xa1: {  	s23 =	simm.s32 $0x1B8B  }
0xa2: {  	_ =	swait.ge [sflag:s23], $0x1  }
0xa3: {  	[sflag:s23] =	ssyncset.done $0x0  }
0xa4: {  	s25 =	simm.s32 $0x1B8E;
	s24 =	sld [smem:$0x3FFE];
	[sflag:s23] =	ssyncadd.s32 $0xFFFFFFFF  }
0xa5: {  	s26 =	simm.s32 $execute0_lowered;
	[smem:$0x3FD2] =	sst s25  }
0xa6: {  	s4 =	sshll.u32 s26, $0x1;
	_ =	strace $0x8000004C;
	[dreg:$0x1] =	wrdreg $0xFFFFFFFF  }
0xa7: {  	s28 =	simm.s32 $_size_execute0_lowered;
	s2 =	sadd.s32 s2, s4;
	[dreg:$0x0] =	wrdreg $0x0  }
0xa8: {  	s4 =	sshll.u32 s28, $0x1;
	[dreg:$0x2] =	wrdreg s2  }
0xa9: {  	[dreg:$0x3] =	wrdreg s4  }
0xaa: {  	[dreg:$0x4] =	wrdreg $0xC0  }
0xab: {  	_ =	task [dreg:s6], $0x5FFFF  }
0xac: {  	[dreg:$0x1] =	wrdreg $0xFFFFFFFF  }
0xad: {  	[dreg:$0x0] =	wrdreg $0x60  }
0xae: {  	[dreg:$0x2] =	wrdreg s24  }
0xaf: {  	[dreg:$0x3] =	wrdreg $0xB7800  }
0xb0: {  	[dreg:$0x4] =	wrdreg $0x9  }
0xb1: {  	_ =	task.clear_ibuf [dreg:s6], $0x5FFFF;
	_ =	strace $0x9000004C  }
0xb2: {  	s29 =	simm.s32 $0x9;
	_ =	strace $0x8000004E  }
0xb3: {  	_ =	swait.ge [sflag:s29], $0x1  }
0xb4: {  	[sflag:s29] =	ssyncadd.s32 $0xFFFFFFFF  }
0xb5: {  	_ =	strace $0x9000004E  }
0xb6: {  	_ =	sfence  }
0xb7: {  	s30 =	sld [smem:$0x0];
	_ =	sdelay $0x2  }
0xb8: {  	s31 =	sshll.u32 s1, $0xD;
	s1 =	sshrl.u32 s1, $0x2  }
0xb9: {  	s3 =	sand.u32 $0x4000, s31;
	s1 =	sadd.s32 s1, s30  }
0xba: {  	s0 =	sor.u32 s3, s0;
	s1 =	sshll.u32 s1, $0x11  }
0xbb: {  	s0 =	sor.u32 s1, s0  }
0xbc: {  	s0 =	sadd.s32 $0x8F2B, s0  }
0xbd: {  	[sflag:s0] =	ssyncadd.remote.s32 $0x1  }
0xbe: {  	_ =	sfence.sel $0xFFFF  }
0xbf: {  	[dreg:$0x0] =	wrdreg $0xFFFFFFFF;
	(pc) =	sbr.abs _section_cstart, $3  }
0xc0: {  	[dreg:$0x1] =	wrdreg $0xFFFFFFFF  }
0xc1: {  	_ =	task.clear_ibuf [dreg:s6], $0x2FFFF;
	_ =	strace $0x9FFFFFFF  }
0xc2: {  	(tm) =	ssettm $0x7FFFFFFF  }
0xc3: {  	_ =	shalt  }
tec
execute0_lowered:
.L_overlay_start_1:
0x0: {  	(tag) =	ssettag $0x1  }
0x1: {  	s9 =	rddreg [dreg:$0x0]  }
0x2: {  	s0 =	srdreg.scid;
	s2 =	rddreg [dreg:$0x1]  }
0x3: {  	s3 =	simm.s32 $0x0;
	s15 =	simm.s32 $0x2780;
	s19 =	simm.s32 $0x50  }
0x4: {  	s20 =	simm.s32 $0x6780;
	s21 =	simm.s32 $0x8F80;
	s22 =	simm.s32 $0x1  }
0x5: {  	s23 =	simm.s32 $0x2;
	s24 =	simm.s32 $0x6580;
	s25 =	simm.s32 $0x0  }
0x6: {  	s5 =	sand.u32 $0x1, s0;
	s0 =	stileid.u32;
	[smem:$0x7FF] =	sst s3  }
0x7: {  	s16 =	sadd.s32 $0x124800, s2;
	s1 =	sshll.u32 s5, $0x4;
	s8 =	smul.u32 $0x27100, s5  }
0x8: {  	s7 =	sshll.u32 s0, $0x7;
	s30 =	ssub.s32 $0x2, s5;
	s11 =	smul.u32 $0x4E000, s0  }
0x9: {  	s5 =	sadd.s32 $0x91000, s9;
	p0 =	seq.s32 s0, $0xF;
	s6 =	sor.u32 s0, s1  }
0xa: {  	s7 =	sand.u32 $0x380, s7;
	s13 =	sshrl.u32 s30, $0x1;
	s16 =	sshrl.u32 @p0 s16, $0x3  }
0xb: {  	s17 =	sshll.u32 @!p0 s0, $0x6;
	s1 =	sshrl.u32 s6, $0x3;
	s6 =	sshll.u32 s6, $0xB  }
0xc: {  	s14 =	sadd.s32 s8, s9;
	s13 =	ssub.s32 s30, s13;
	s4 =	smul.u32 $0x13C00, s1  }
0xd: {  	s31 =	sshrl.u32 s11, $0x2;
	s17 =	sor.u32 @!p0 $0x1C03, s17;
	s1 =	rddreg [dreg:$0x2]  }
0xe: {  	_ =	strace $0x8000004D;
	s10 =	sadd.s32 s6, s9;
	s4 =	sor.u32 s7, s4  }
0xf: {  	s18 =	sadd.s32 s31, s2;
	s7 =	sshrl.u32 s4, $0x3;
	s4 =	smul.u32 $0x2700, s0  }
0x10: {  	s11 =	smax.u32 s13, $0x1;
	s13 =	simm.s32 $0x400;
	s7 =	sadd.s32 s7, s9  }
0x11: {  	s18 =	sshrl.u32 @!p0 s18, $0x3;
	s12 =	sadd.s32 s4, s9;
	s6 =	sadd.s32 $0x87200, s7  }
0x12: {  	s7 =	sadd.s32 $0x1E00, s10;
	s9 =	sadd.s32 $0x36700, s9;
	s10 =	sadd.s32 $0xB8200, s14  }
0x13: {  	s14 =	simm.s32 $0x3;
	s8 =	sadd.s32 $0x11E00, s12;
	s12 =	simm.s32 $0x80  }
.LBB2_1:
0x14: {  	[tilespmem:s3], [sflag:$0x3] =	stream.strided.gather [hbm4b:s6+s12], $0x2780, s13, s12, $0x38;
	[tilespmem:$0x1F000] =	vst v63  }
0x15: {  	_ =	swait.ge [sflag:s14], $0x2780  }
0x16: {  	[sflag:s14] =	ssyncset.done $0x0  }
0x17: {  	[sflag:s14] =	ssyncadd.s32 $0xFFFFD880  }
0x18: {  	[tilespmem:s15], [sflag:$0x3] =	stream.linear.gather [hbm4b:s7+s3], $0x3E80, $0x38;
	[tilespmem:$0x1F000] =	vst v63  }
0x19: {  	_ =	swait.ge [sflag:s14], $0x3E80  }
0x1a: {  	[sflag:s14] =	ssyncset.done $0x0  }
0x1b: {  	s26 =	simm.s32 @p0 $0x1FC3;
	[sflag:s14] =	ssyncadd.s32 $0xFFFFC180  }
0x1c: {  	[spmem:s16], [sflag:s26] =	dma.local @p0 [hbm:s9], $0x2800  }
0x1d: {  	s26 =	simm.s32 @p0 $0x3  }
0x1e: {  	_ =	swait.ge @p0 [sflag:s26], $0x2800  }
0x1f: {  	[sflag:s26] =	ssyncset.done @p0 $0x0  }
0x20: {  	[sflag:s26] =	ssyncadd.s32 @p0 $0xFFFFD800;
	s26 =	simm.s32 @!p0 $0x3  }
0x21: {  	[spmem:s18], [sflag:s17] =	dma.local @!p0 [hbm:s8], $0x2700  }
0x22: {  	_ =	swait.ge @!p0 [sflag:s26], $0x2700  }
0x23: {  	[sflag:s26] =	ssyncset.done @!p0 $0x0  }
0x24: {  	[sflag:s26] =	ssyncadd.s32 @!p0 $0xFFFFD900  }
0x25: {  	[bflag:$0x0] =	sbarrier.arrive $0xFFFF  }
0x26: {  	[tilespmem:s20], [sflag:$0x1] =	stream.indirect.gather [hbm4b:s5+s19], $0x80, s3, s19, $0xb8;
	[tilespmem:$0x1F000] =	vst v63  }
0x27: {  	s30 =	simm.s32 $0x50  }
0x28: {  	[tilespmem:s21], [sflag:$0x2] =	stream.indirect.gather [hbm4b:s5+s19], $0x80, s30, s19, $0xb8;
	[tilespmem:$0x1F000] =	vst v63  }
0x29: {  	_ =	swait.ge [sflag:s22], $0x2800  }
0x2a: {  	[sflag:s22] =	ssyncset.done $0x0  }
0x2b: {  	s31 =	simm.s32 $0x2780;
	[sflag:s22] =	ssyncadd.s32 $0xFFFFD800  }
0x2c: {  	[spmem:s2] =	stream.indirect.scatter.add.f32 [tilespmem:s20], [sflag:$0x3], $0x80, s31, s19, $0xb8;
	[tilespmem:$0x1F000] =	vst v63  }
0x2d: {  	_ =	swait.ge [sflag:s14], $0x2800  }
0x2e: {  	[sflag:s14] =	ssyncset.done $0x0  }
0x2f: {  	s30 =	simm.s32 $0xA0;
	[sflag:s14] =	ssyncadd.s32 $0xFFFFD800  }
0x30: {  	[tilespmem:s20], [sflag:$0x1] =	stream.indirect.gather [hbm4b:s5+s19], $0x80, s30, s19, $0xb8;
	[tilespmem:$0x1F000] =	vst v63  }
0x31: {  	_ =	swait.ge [sflag:s23], $0x2800  }
0x32: {  	[sflag:s23] =	ssyncset.done $0x0  }
0x33: {  	s31 =	simm.s32 $0x2800;
	[sflag:s23] =	ssyncadd.s32 $0xFFFFD800  }
0x34: {  	[spmem:s2] =	stream.indirect.scatter.add.f32 [tilespmem:s21], [sflag:$0x3], $0x80, s31, s19, $0xb8;
	[tilespmem:$0x1F000] =	vst v63  }
0x35: {  	s28 =	simm.s32 $0x400;
	_ =	swait.ge [sflag:s14], $0x2800  }
0x36: {  	s29 =	simm.s32 $0x800;
	s26 =	simm.s32 $0x140;
	[sflag:s14] =	ssyncset.done $0x0  }
.LBB2_2:
0x37: {  	p1 =	sne.s32 s29, $0xF400;
	s30 =	sadd.s32 $0xFFFFFFB0, s26;
	[sflag:s14] =	ssyncadd.s32 $0xFFFFD800  }
0x38: {  	[tilespmem:s21], [sflag:$0x2] =	stream.indirect.gather [hbm4b:s5+s19], $0x80, s30, s19, $0xb8;
	[tilespmem:$0x1F000] =	vst v63  }
0x39: {  	s30 =	smov.u32 s29;
	s29 =	sadd.s32 $0x400, s29;
	_ =	swait.ge [sflag:s22], $0x2800  }
0x3a: {  	s31 =	sshra.s32 s28, $0x2;
	s28 =	smov.u32 s30;
	[sflag:s22] =	ssyncset.done $0x0  }
0x3b: {  	s30 =	sadd.s32 $0x2780, s31;
	[sflag:s22] =	ssyncadd.s32 $0xFFFFD800  }
0x3c: {  	[spmem:s2] =	stream.indirect.scatter.add.f32 [tilespmem:s20], [sflag:$0x3], $0x80, s30, s19, $0xb8;
	[tilespmem:$0x1F000] =	vst v63  }
0x3d: {  	_ =	swait.ge [sflag:s14], $0x2800  }
0x3e: {  	[sflag:s14] =	ssyncset.done $0x0  }
0x3f: {  	[sflag:s14] =	ssyncadd.s32 $0xFFFFD800  }
0x40: {  	[tilespmem:s20], [sflag:$0x1] =	stream.indirect.gather [hbm4b:s5+s19], $0x80, s26, s19, $0xb8;
	[tilespmem:$0x1F000] =	vst v63  }
0x41: {  	_ =	swait.ge [sflag:s23], $0x2800  }
.Ltmp0:
0x42: {  	[sflag:s23] =	ssyncset.done $0x0;
	(pc) =	sbr.rel @p1 .LBB2_2-.Ltmp0, $4  }
0x43: {  	s30 =	sadd.s32 $0x2800, s31;
	[sflag:s23] =	ssyncadd.s32 $0xFFFFD800  }
0x44: {  	[spmem:s2] =	stream.indirect.scatter.add.f32 [tilespmem:s21], [sflag:$0x3], $0x80, s30, s19, $0xb8;
	[tilespmem:$0x1F000] =	vst v63  }
0x45: {  	_ =	swait.ge [sflag:s14], $0x2800  }
0x46: {  	s26 =	sadd.s32 $0xA0, s26;
	[sflag:s14] =	ssyncset.done $0x0  }
0x47: {  	s29 =	sadd.s32 $0xFFFFFFB0, s26;
	[sflag:s14] =	ssyncadd.s32 $0xFFFFD800  }
0x48: {  	[tilespmem:s21], [sflag:$0x2] =	stream.indirect.gather [hbm4b:s5+s19], $0x80, s29, s19, $0xb8;
	[tilespmem:$0x1F000] =	vst v63  }
0x49: {  	_ =	swait.ge [sflag:s22], $0x2800  }
0x4a: {  	s28 =	sshra.s32 s28, $0x2;
	[sflag:s22] =	ssyncset.done $0x0  }
0x4b: {  	s30 =	sadd.s32 $0x2780, s28;
	[sflag:s22] =	ssyncadd.s32 $0xFFFFD800  }
0x4c: {  	[spmem:s2] =	stream.indirect.scatter.add.f32 [tilespmem:s20], [sflag:$0x3], $0x80, s30, s19, $0xb8;
	[tilespmem:$0x1F000] =	vst v63  }
0x4d: {  	_ =	swait.ge [sflag:s14], $0x2800  }
0x4e: {  	[sflag:s14] =	ssyncset.done $0x0  }
0x4f: {  	[sflag:s14] =	ssyncadd.s32 $0xFFFFD800  }
0x50: {  	[tilespmem:s20], [sflag:$0x1] =	stream.indirect.gather [hbm4b:s5+s19], $0x80, s26, s19, $0xb8;
	[tilespmem:$0x1F000] =	vst v63  }
0x51: {  	_ =	swait.ge [sflag:s23], $0x2800  }
0x52: {  	[sflag:s23] =	ssyncset.done $0x0  }
0x53: {  	s31 =	sadd.s32 $0x2800, s28;
	[sflag:s23] =	ssyncadd.s32 $0xFFFFD800  }
0x54: {  	[spmem:s2] =	stream.indirect.scatter.add.f32 [tilespmem:s21], [sflag:$0x3], $0x80, s31, s19, $0xb8;
	[tilespmem:$0x1F000] =	vst v63  }
0x55: {  	_ =	swait.ge [sflag:s14], $0x2800  }
0x56: {  	[sflag:s14] =	ssyncset.done $0x0  }
0x57: {  	[sflag:s14] =	ssyncadd.s32 $0xFFFFD800  }
0x58: {  	_ =	swait.ge [sflag:s22], $0x2800  }
0x59: {  	[sflag:s22] =	ssyncset.done $0x0  }
0x5a: {  	[sflag:s22] =	ssyncadd.s32 $0xFFFFD800  }
0x5b: {  	[spmem:s2] =	stream.indirect.scatter.add.f32 [tilespmem:s20], [sflag:$0x3], $0x80, s24, s19, $0xb8;
	[tilespmem:$0x1F000] =	vst v63  }
0x5c: {  	_ =	swait.ge [sflag:s14], $0x2800  }
0x5d: {  	[sflag:s14] =	ssyncset.done $0x0  }
0x5e: {  	[sflag:s14] =	ssyncadd.s32 $0xFFFFD800  }
0x5f: {  	s28 =	simm.s32 @p0 $0x1FC3;
	s26 =	sadd.s32 @p0 $0x24900, s10;
	[bflag:$0x0] =	sbarrier.arrive $0xFFFF  }
0x60: {  	[hbm:s26], [sflag:s28] =	dma.local @p0 [spmem:s16], $0x2800  }
0x61: {  	s26 =	simm.s32 @p0 $0x3  }
0x62: {  	_ =	swait.ge @p0 [sflag:s26], $0x2800  }
0x63: {  	s25 =	sadd.s32 $0x1, s25;
	[sflag:s26] =	ssyncset.done @p0 $0x0  }
0x64: {  	p1 =	sne.s32 s25, s11;
	[sflag:s26] =	ssyncadd.s32 @p0 $0xFFFFD800;
	s26 =	sadd.s32 @!p0 s4, s10  }
0x65: {  	[hbm:s26], [sflag:s17] =	dma.local @!p0 [spmem:s18], $0x2700  }
.Ltmp1:
0x66: {  	_ = 	snop;
	(pc) =	sbr.rel @p1 .LBB2_1-.Ltmp1, $4  }
0x67: {  	s26 =	simm.s32 @!p0 $0x3  }
0x68: {  	_ =	swait.ge @!p0 [sflag:s26], $0x2700  }
0x69: {  	[sflag:s26] =	ssyncset.done @!p0 $0x0  }
0x6a: {  	[sflag:s26] =	ssyncadd.s32 @!p0 $0xFFFFD900  }
0x6b: {  	_ =	sfence.sel $0x180000  }
0x6c: {  	[bflag:$0x0] =	sbarrier.arrive $0xFFFF  }
0x6d: {  	p0 =	sne.s32 s0, $0x0;
	_ =	strace $0x9000004D  }
0x6e: {  	s0 =	sadd.s32 @!p0 $0x100000, s1;
	[bflag:$0x2] =	sbarrier.arrive $0xFFFF  }
0x6f: {  	[sflag:s0] =	ssyncadd.tile.s32 @!p0 $0x1;
	_ =	shalt  }
.Lfunc_end2:
_tile_overlayer_lowered:
.L_overlay_start_2:
0x70: {  	(tag) =	ssettag $0x2  }
0x71: {  	s0 =	rddreg [dreg:$0x0];
	s2 =	stileid.u32  }
0x72: {  	s1 =	rddreg [dreg:$0x1];
	p0 =	sne.s32 s2, $0x0  }
0x73: {  	s3 =	rddreg [dreg:$0x2];
	[bflag:$0x3] =	sbarrier.arrive $0xFFFF;
	s2 =	simm.s32 @!p0 $0x1C03  }
0x74: {  	[timem:s3], [sflag:s2] =	dma.local @!p0 [hbm:s0], s1  }
0x75: {  	s0 =	simm.s32 @!p0 $0x3  }
0x76: {  	_ =	swait.ge @!p0 [sflag:s0], s1  }
0x77: {  	s1 =	ssub.s32 @!p0 $0x0, s1;
	[sflag:s0] =	ssyncset.done @!p0 $0x0  }
0x78: {  	[sflag:s0] =	ssyncadd.s32 @!p0 s1  }
0x79: {  	[bflag:$0x3] =	sbarrier.arrive $0xFFFF  }
0x7a: {  	_ =	shalt  }

// kernel: kernel.9.cloned.1.call-start
scs
__scs_entry_jumppad:
0x0: {  	(pc) =	sbr.rel $0x88, $3  }
0x1: {  	(tag) =	ssettag $0x0;
	lr =	simm.s32 $0x1  }
0x2: {  	[smem:$0x3F96] =	sst lr;
	_ =	strace $0xD0000000  }
0x3: {  	_ = 	snop  }
0x4: {  	_ = 	snop  }
0x5: {  	_ = 	snop  }
0x6: {  	_ = 	snop  }
0x7: {  	_ = 	snop  }
__scs_overlays_trampoline_lowered:
0x8: {  	[smem:$0x3FA5] =	sst s0  }
0x9: {  	[smem:$0x3FA6] =	sst s1  }
0xa: {  	[smem:$0x3FA7] =	sst s2  }
0xb: {  	[smem:$0x3FA8] =	sst s3  }
0xc: {  	[smem:$0x3FA9] =	sst s4  }
0xd: {  	[smem:$0x3FAA] =	sst s5  }
0xe: {  	[smem:$0x3FAB] =	sst s6  }
0xf: {  	[smem:$0x3FAC] =	sst s7  }
0x10: {  	[smem:$0x3FAD] =	sst s8  }
0x11: {  	[smem:$0x3FAE] =	sst s9;
	s0 =	simm.s32 @!p0 $0x0  }
0x12: {  	s1 =	sld [smem:$0x3F94];
	s0 =	simm.s32 @p0 $0x1  }
0x13: {  	[smem:$0x3FAF] =	sst s0;
	s0 =	simm.s32 @!p1 $0x0  }
0x14: {  	s2 =	sld [smem:$0x3F93];
	s0 =	simm.s32 @p1 $0x1  }
0x15: {  	[smem:$0x3FB0] =	sst s0;
	s0 =	simm.s32 @!p2 $0x0  }
0x16: {  	s3 =	sld [smem:$0x3FDB];
	s0 =	simm.s32 @p2 $0x1  }
0x17: {  	s4 =	simm.s32 $0x1BF5;
	[smem:$0x3FB2] =	sst s0  }
0x18: {  	s0 =	sld [smem:$0x3F95];
	_ =	swait.ge [sflag:s4], $0x0  }
0x19: {  	s7 =	sld [smem:$0x3F96]  }
0x1a: {  	s8 =	sadd.s32 $0xFFFFE003, lr  }
0x1b: {  	s9 =	sadd.s32 $0xFFFFFEF7, lr;
	s5 =	simm.s32 $0xFFFFFFFF;
	p2 =	slt.u32 s8, $0xFFFFF086  }
0x1c: {  	p1 =	slt.u32 s9, $0xF7A;
	s5 =	simm.s32 @!p2 $0x0  }
0x1d: {  	s5 =	simm.s32 @p1 $0x1;
	p0 =	seq.s32 s7, s2  }
0x1e: {  	s7 =	smul.u32 @!p0 $0xF7A, s2;
	p2 =	seq.s32 @!p0 s5, $0x0  }
0x1f: {  	s9 =	smul.u32 $0xF7A, s1;
	s8 =	simm.s32 @!p0 $0x1BF5;
	p2 =	por !p2, p0  }
0x20: {  	[sflag:s8] =	ssyncset.s32 @!p0 $0xFFFFF086;
	s6 =	sadd.s32 @!p0 s3, s7;
	s7 =	simm.s32 @!p0 $0x108  }
0x21: {  	s3 =	sadd.s32 s3, s9;
	s6 =	sadd.s32 @!p0 $0x88, s6;
	s7 =	simm.s32 @p2 $0x1082  }
0x22: {  	[simem:s7], [sflag:s8] =	dma.local @!p0 [hbm:s6], $0xF7A  }
0x23: {  	s9 =	sor.u32 $0xD0000000, s2;
	s6 =	simm.s32 $0x108;
	_ =	swait.ge @!p0 [sflag:s8], $0x0  }
0x24: {  	s3 =	sadd.s32 $0x88, s3;
	s6 =	simm.s32 @!p1 $0x1082;
	[sflag:s4] =	ssyncset.s32 $0xFFFFF086  }
0x25: {  	[simem:s6], [sflag:s4] =	dma.local [hbm:s3], $0xF7A  }
0x26: {  	[smem:$0x3F96] =	sst s1;
	(tag) =	ssettag s2;
	_ =	strace s9  }
0x27: {  	s1 =	sld [smem:$0x3FA6]  }
0x28: {  	s2 =	sld [smem:$0x3FA7]  }
0x29: {  	s4 =	sld [smem:$0x3FA9]  }
0x2a: {  	p0 =	seq.s32 s5, $0x0;
	s5 =	sld [smem:$0x3FAA]  }
0x2b: {  	s6 =	sld [smem:$0x3FAB]  }
0x2c: {  	s7 =	sld [smem:$0x3FAC]  }
0x2d: {  	s3 =	simm.s32 $0x108;
	s8 =	sld [smem:$0x3FAD]  }
0x2e: {  	s3 =	simm.s32 @!p0 $0x1082;
	s9 =	sld [smem:$0x3FAE]  }
0x2f: {  	lr =	sadd.s32 s0, s3;
	s0 =	sld [smem:$0x3FA5]  }
0x30: {  	s3 =	sld [smem:$0x3FA8]  }
0x31: {  	[smem:$0x3FB1] =	sst s10  }
0x32: {  	s10 =	sld [smem:$0x3FAF];
	_ =	sdelay $0x3  }
0x33: {  	p0 =	seq.s32 s10, $0x1;
	s10 =	sld [smem:$0x3FB1];
	_ =	sdelay $0x3  }
0x34: {  	[smem:$0x3FB1] =	sst s10  }
0x35: {  	s10 =	sld [smem:$0x3FB0];
	_ =	sdelay $0x3  }
0x36: {  	p1 =	seq.s32 s10, $0x1;
	s10 =	sld [smem:$0x3FB1];
	_ =	sdelay $0x3  }
0x37: {  	[smem:$0x3FB1] =	sst s10  }
0x38: {  	s10 =	sld [smem:$0x3FB2]  }
0x39: {  	_ = 	snop;
	(pc) =	sbr.ind lr, $3  }
0x3a: {  	_ = 	snop  }
0x3b: {  	_ = 	snop  }
0x3c: {  	p2 =	seq.s32 s10, $0x1;
	s10 =	sld [smem:$0x3FB1]  }
0x3d: {  	_ =	shalt  }
0x3e: {  	_ =	shalt  }
0x3f: {  	_ =	shalt  }
0x40: {  	_ =	shalt  }
0x41: {  	_ =	shalt  }
0x42: {  	_ =	shalt  }
0x43: {  	_ =	shalt  }
0x44: {  	_ =	shalt  }
0x45: {  	_ =	shalt  }
0x46: {  	_ =	shalt  }
0x47: {  	_ =	shalt  }
0x48: {  	_ =	shalt  }
0x49: {  	_ =	shalt  }
0x4a: {  	_ =	shalt  }
0x4b: {  	_ =	shalt  }
0x4c: {  	_ =	shalt  }
0x4d: {  	_ =	shalt  }
0x4e: {  	_ =	shalt  }
0x4f: {  	_ =	shalt  }
0x50: {  	_ =	shalt  }
0x51: {  	_ =	shalt  }
0x52: {  	_ =	shalt  }
0x53: {  	_ =	shalt  }
0x54: {  	_ =	shalt  }
0x55: {  	_ =	shalt  }
0x56: {  	_ =	shalt  }
0x57: {  	_ =	shalt  }
0x58: {  	_ =	shalt  }
0x59: {  	_ =	shalt  }
0x5a: {  	_ =	shalt  }
0x5b: {  	_ =	shalt  }
0x5c: {  	_ =	shalt  }
0x5d: {  	_ =	shalt  }
0x5e: {  	_ =	shalt  }
0x5f: {  	_ =	shalt  }
0x60: {  	_ =	shalt  }
0x61: {  	_ =	shalt  }
0x62: {  	_ =	shalt  }
0x63: {  	_ =	shalt  }
0x64: {  	_ =	shalt  }
0x65: {  	_ =	shalt  }
0x66: {  	_ =	shalt  }
0x67: {  	_ =	shalt  }
0x68: {  	_ =	shalt  }
0x69: {  	_ =	shalt  }
0x6a: {  	_ =	shalt  }
0x6b: {  	_ =	shalt  }
0x6c: {  	_ =	shalt  }
0x6d: {  	_ =	shalt  }
0x6e: {  	_ =	shalt  }
0x6f: {  	_ =	shalt  }
0x70: {  	_ =	shalt  }
0x71: {  	_ =	shalt  }
0x72: {  	_ =	shalt  }
0x73: {  	_ =	shalt  }
0x74: {  	_ =	shalt  }
0x75: {  	_ =	shalt  }
0x76: {  	_ =	shalt  }
0x77: {  	_ =	shalt  }
0x78: {  	_ =	shalt  }
0x79: {  	_ =	shalt  }
0x7a: {  	_ =	shalt  }
0x7b: {  	_ =	shalt  }
0x7c: {  	_ =	shalt  }
0x7d: {  	_ =	shalt  }
0x7e: {  	_ =	shalt  }
0x7f: {  	_ =	shalt  }
0x80: {  	_ =	shalt  }
0x81: {  	_ =	shalt  }
0x82: {  	_ =	shalt  }
0x83: {  	_ =	shalt  }
0x84: {  	_ =	shalt  }
0x85: {  	_ =	shalt  }
0x86: {  	_ =	shalt  }
0x87: {  	_ =	shalt  }
.Lfunc_end0:
.L_simem_size_0:
called_computation_lowered:
.L_overlay_start_0:
0x88: {  	s2 =	sld [smem:$0x3FD9]  }
0x89: {  	s3 =	sld [smem:$0x3FFE];
	_ =	sdelay $0x1  }
0x8a: {  	s1 =	srdreg.scid  }
0x8b: {  	s0 =	sand.u32 $0x1, s1  }
0x8c: {  	s17 =	sshll.u32 s0, $0xA;
	s2 =	sadd.s32 s3, s2  }
0x8d: {  	s2 =	sadd.s32 s2, s17  }
0x8e: {  	[smem:$0x3FBD] =	sst s2  }
0x8f: {  	_ = 	snop  }
0x90: {  	s2 =	sld [smem:$0x3FD0];
	(tm) =	ssettm $0x1  }
0x91: {  	s18 =	sld [smem:$0x3FFB];
	_ =	sdelay $0x3  }
0x92: {  	_ =	strace s18  }
0x93: {  	s3 =	sld [smem:$0x3FFC];
	_ =	sdelay $0x3  }
0x94: {  	_ =	strace s3  }
0x95: {  	s3 =	sld [smem:$0x3FFD];
	_ =	sdelay $0x3  }
0x96: {  	_ =	strace s3  }
0x97: {  	_ =	strace $0x8FFFFFFF  }
0x98: {  	s19 =	sld [smem:$0x3FDB];
	_ =	sdelay $0x1  }
0x99: {  	s4 =	simm.s32 $_scs_section_size  }
0x9a: {  	s5 =	simm.s32 $_size__tile_overlayer_lowered;
	s6 =	simm.s32 $_tile_overlayer_lowered  }
0x9b: {  	s22 =	simm.s32 $0x1BFF;
	s21 =	sshll.u32 s6, $0x1;
	s3 =	sadd.s32 s4, s19  }
0x9c: {  	s7 =	simm.s32 $0x0;
	s20 =	sshll.u32 s5, $0x1;
	s5 =	sadd.s32 s21, s3  }
0x9d: {  	[timem:s7], [sflag:s22] =	dma.local [hbm:s5], s20  }
0x9e: {  	_ =	swait.ge [sflag:s22], s20  }
0x9f: {  	s4 =	ssub.s32 $0x0, s20;
	[sflag:s22] =	ssyncset.done $0x0  }
0xa0: {  	[sflag:s22] =	ssyncadd.s32 s4;
	_ =	sdelay $0x1  }
0xa1: {  	s23 =	simm.s32 $0x1B8B  }
0xa2: {  	_ =	swait.ge [sflag:s23], $0x1  }
0xa3: {  	[sflag:s23] =	ssyncset.done $0x0  }
0xa4: {  	s25 =	simm.s32 $0x1B8E;
	s24 =	sld [smem:$0x3FFE];
	[sflag:s23] =	ssyncadd.s32 $0xFFFFFFFF  }
0xa5: {  	s26 =	simm.s32 $execute0_lowered;
	[smem:$0x3FD2] =	sst s25  }
0xa6: {  	s5 =	sshll.u32 s26, $0x1;
	_ =	strace $0x80000046;
	[dreg:$0x1] =	wrdreg $0xFFFFFFFF  }
0xa7: {  	s28 =	simm.s32 $_size_execute0_lowered;
	s3 =	sadd.s32 s3, s5;
	[dreg:$0x0] =	wrdreg $0x0  }
0xa8: {  	s5 =	sshll.u32 s28, $0x1;
	[dreg:$0x2] =	wrdreg s3  }
0xa9: {  	[dreg:$0x3] =	wrdreg s5  }
0xaa: {  	[dreg:$0x4] =	wrdreg $0xC0  }
0xab: {  	_ =	task [dreg:s7], $0x5FFFF  }
0xac: {  	[dreg:$0x1] =	wrdreg $0xFFFFFFFF  }
0xad: {  	[dreg:$0x0] =	wrdreg $0x60  }
0xae: {  	[dreg:$0x2] =	wrdreg s24  }
0xaf: {  	[dreg:$0x3] =	wrdreg s2  }
0xb0: {  	[dreg:$0x4] =	wrdreg $0x68000  }
0xb1: {  	[dreg:$0x5] =	wrdreg $0x9  }
0xb2: {  	_ =	task.clear_ibuf [dreg:s7], $0x6FFFF;
	_ =	strace $0x90000046  }
0xb3: {  	s29 =	simm.s32 $0x9;
	_ =	strace $0x80000048  }
0xb4: {  	_ =	swait.ge [sflag:s29], $0x1  }
0xb5: {  	[sflag:s29] =	ssyncadd.s32 $0xFFFFFFFF  }
0xb6: {  	_ =	strace $0x90000048  }
0xb7: {  	_ =	sfence  }
0xb8: {  	s30 =	sld [smem:$0x0];
	_ =	sdelay $0x2  }
0xb9: {  	s31 =	sshll.u32 s1, $0xD;
	s1 =	sshrl.u32 s1, $0x2  }
0xba: {  	s3 =	sand.u32 $0x4000, s31;
	s1 =	sadd.s32 s1, s30  }
0xbb: {  	s0 =	sor.u32 s3, s0;
	s1 =	sshll.u32 s1, $0x11  }
0xbc: {  	s0 =	sor.u32 s1, s0  }
0xbd: {  	s0 =	sadd.s32 $0x8F2B, s0  }
0xbe: {  	[sflag:s0] =	ssyncadd.remote.s32 $0x1  }
0xbf: {  	_ =	sfence.sel $0xFFFF  }
0xc0: {  	[dreg:$0x0] =	wrdreg $0xFFFFFFFF;
	(pc) =	sbr.abs _section_cstart, $3  }
0xc1: {  	[dreg:$0x1] =	wrdreg $0xFFFFFFFF  }
0xc2: {  	_ =	task.clear_ibuf [dreg:s7], $0x2FFFF;
	_ =	strace $0x9FFFFFFF  }
0xc3: {  	(tm) =	ssettm $0x7FFFFFFF  }
tec
execute0_lowered:
.L_overlay_start_1:
0x0: {  	(tag) =	ssettag $0x1  }
0x1: {  	s7 =	rddreg [dreg:$0x0]  }
0x2: {  	s1 =	rddreg [dreg:$0x1]  }
0x3: {  	s3 =	rddreg [dreg:$0x2]  }
0x4: {  	s0 =	rddreg [dreg:$0x3];
	s4 =	simm.s32 $0x0  }
0x5: {  	s2 =	stileid.u32;
	s5 =	srdreg.scid;
	s14 =	simm.s32 $0x50  }
0x6: {  	[smem:$0x7FF] =	sst s4;
	s6 =	sshll.u32 s2, $0xB;
	s16 =	smul.u32 $0x2700, s2  }
0x7: {  	s5 =	sand.u32 $0x1, s5;
	s11 =	smul.u32 $0x4E000, s2;
	p0 =	seq.s32 s2, $0xF  }
0x8: {  	_ =	strace $0x80000047;
	s6 =	sadd.s32 s6, s7;
	s8 =	smul.u32 $0x27100, s5  }
0x9: {  	s10 =	ssub.s32 $0x2, s5;
	s5 =	sshll.u32 s5, $0xF;
	s9 =	sadd.s32 s16, s7  }
0xa: {  	s12 =	sshrl.u32 s10, $0x1;
	s5 =	sadd.s32 s5, s6;
	s31 =	sshrl.u32 s11, $0x2  }
0xb: {  	s11 =	sadd.s32 $0x124800, s3;
	s8 =	sadd.s32 s8, s7;
	s10 =	ssub.s32 s10, s12  }
0xc: {  	s5 =	sadd.s32 $0x1E00, s5;
	s13 =	sadd.s32 s31, s3;
	s6 =	sadd.s32 $0x11E00, s9  }
0xd: {  	s7 =	sadd.s32 $0x36700, s7;
	s9 =	simm.s32 $0x1;
	s11 =	sshrl.u32 @p0 s11, $0x3  }
0xe: {  	s12 =	sshll.u32 @!p0 s2, $0x6;
	s17 =	sadd.s32 $0x39000, s8;
	s8 =	smax.u32 s10, $0x1  }
0xf: {  	s10 =	simm.s32 $0x4000;
	s12 =	sor.u32 @!p0 $0x1C01, s12;
	s13 =	sshrl.u32 @!p0 s13, $0x3  }
0x10: {  	s15 =	sadd.s32 @p0 $0x24900, s17;
	s16 =	sadd.s32 @!p0 s16, s17;
	s17 =	simm.s32 $0x0  }
.LBB2_1:
0x11: {  	[tilespmem:s4], [sflag:$0x1] =	stream.linear.gather [hbm4b:s5+s4], $0x3E80, $0x38;
	[tilespmem:$0x1A080] =	vst v63  }
0x12: {  	_ =	swait.ge [sflag:s9], $0x3E80  }
0x13: {  	[sflag:s9] =	ssyncset.done $0x0  }
0x14: {  	[sflag:s9] =	ssyncadd.s32 $0xFFFFC180  }
0x15: {  	[tilespmem:s10], [sflag:$0x1] =	stream.linear.gather [hbm4b:s1+s4], $0x2800, $0x38;
	[tilespmem:$0x1A080] =	vst v63  }
0x16: {  	_ =	swait.ge [sflag:s9], $0x2800  }
0x17: {  	[sflag:s9] =	ssyncset.done $0x0  }
0x18: {  	s18 =	simm.s32 @p0 $0x1FC1;
	[sflag:s9] =	ssyncadd.s32 $0xFFFFD800  }
0x19: {  	[spmem:s11], [sflag:s18] =	dma.local @p0 [hbm:s7], $0x2800  }
0x1a: {  	s18 =	simm.s32 @p0 $0x1  }
0x1b: {  	_ =	swait.ge @p0 [sflag:s18], $0x2800  }
0x1c: {  	[sflag:s18] =	ssyncset.done @p0 $0x0  }
0x1d: {  	[sflag:s18] =	ssyncadd.s32 @p0 $0xFFFFD800;
	s18 =	simm.s32 @!p0 $0x1  }
0x1e: {  	[spmem:s13], [sflag:s12] =	dma.local @!p0 [hbm:s6], $0x2700  }
0x1f: {  	_ =	swait.ge @!p0 [sflag:s18], $0x2700  }
0x20: {  	[sflag:s18] =	ssyncset.done @!p0 $0x0  }
0x21: {  	[sflag:s18] =	ssyncadd.s32 @!p0 $0xFFFFD900  }
0x22: {  	s31 =	simm.s32 $0x0;
	[bflag:$0x0] =	sbarrier.arrive $0xFFFF  }
0x23: {  	[spmem:s3] =	stream.indirect.scatter.add.f32 [tilespmem:s10], [sflag:$0x1], $0x80, s31, s14, $0xb8;
	[tilespmem:$0x1A080] =	vst v63  }
0x24: {  	_ =	swait.ge [sflag:s9], $0x2800  }
0x25: {  	s18 =	simm.s32 $0x200;
	[sflag:s9] =	ssyncset.done $0x0  }
.LBB2_2:
0x26: {  	s19 =	sshra.s32 s18, $0x2;
	[sflag:s9] =	ssyncadd.s32 $0xFFFFD800;
	p1 =	sne.s32 s18, $0xF800  }
0x27: {  	[spmem:s3] =	stream.indirect.scatter.add.f32 [tilespmem:s10], [sflag:$0x1], $0x80, s19, s14, $0xb8;
	[tilespmem:$0x1A080] =	vst v63  }
.Ltmp0:
0x28: {  	_ = 	snop;
	(pc) =	sbr.rel @p1 .LBB2_2-.Ltmp0, $4  }
0x29: {  	_ = 	snop  }
0x2a: {  	s18 =	sadd.s32 $0x200, s18  }
0x2b: {  	_ =	swait.ge [sflag:s9], $0x2800  }
0x2c: {  	[sflag:s9] =	ssyncset.done $0x0  }
0x2d: {  	[sflag:s9] =	ssyncadd.s32 $0xFFFFD800  }
0x2e: {  	s18 =	simm.s32 @p0 $0x1FC1;
	[bflag:$0x0] =	sbarrier.arrive $0xFFFF  }
0x2f: {  	[hbm:s15], [sflag:s18] =	dma.local @p0 [spmem:s11], $0x2800  }
0x30: {  	s18 =	simm.s32 @p0 $0x1  }
0x31: {  	s17 =	sadd.s32 $0x1, s17;
	_ =	swait.ge @p0 [sflag:s18], $0x2800  }
0x32: {  	p1 =	sne.s32 s17, s8;
	[sflag:s18] =	ssyncset.done @p0 $0x0  }
.Ltmp1:
0x33: {  	[sflag:s18] =	ssyncadd.s32 @p0 $0xFFFFD800;
	s18 =	simm.s32 @!p0 $0x1;
	(pc) =	sbr.rel @p1 .LBB2_1-.Ltmp1, $4  }
0x34: {  	[hbm:s16], [sflag:s12] =	dma.local @!p0 [spmem:s13], $0x2700  }
0x35: {  	_ =	swait.ge @!p0 [sflag:s18], $0x2700  }
0x36: {  	[sflag:s18] =	ssyncset.done @!p0 $0x0  }
0x37: {  	[sflag:s18] =	ssyncadd.s32 @!p0 $0xFFFFD900  }
0x38: {  	_ =	sfence.sel $0x180000  }
0x39: {  	[bflag:$0x0] =	sbarrier.arrive $0xFFFF  }
0x3a: {  	p0 =	sne.s32 s2, $0x0;
	_ =	strace $0x90000047  }
0x3b: {  	s0 =	sadd.s32 @!p0 $0x100000, s0;
	[bflag:$0x2] =	sbarrier.arrive $0xFFFF  }
0x3c: {  	[sflag:s0] =	ssyncadd.tile.s32 @!p0 $0x1;
	_ =	shalt  }
.Lfunc_end2:
_tile_overlayer_lowered:
.L_overlay_start_2:
0x3d: {  	(tag) =	ssettag $0x2  }
0x3e: {  	s0 =	rddreg [dreg:$0x0];
	s2 =	stileid.u32  }
0x3f: {  	s1 =	rddreg [dreg:$0x1];
	p0 =	sne.s32 s2, $0x0  }
0x40: {  	s3 =	rddreg [dreg:$0x2];
	[bflag:$0x3] =	sbarrier.arrive $0xFFFF;
	s2 =	simm.s32 @!p0 $0x1C01  }
0x41: {  	[timem:s3], [sflag:s2] =	dma.local @!p0 [hbm:s0], s1  }
0x42: {  	s0 =	simm.s32 @!p0 $0x1  }
0x43: {  	_ =	swait.ge @!p0 [sflag:s0], s1  }
0x44: {  	s1 =	ssub.s32 @!p0 $0x0, s1;
	[sflag:s0] =	ssyncset.done @!p0 $0x0  }
0x45: {  	[sflag:s0] =	ssyncadd.s32 @!p0 s1  }
0x46: {  	[bflag:$0x3] =	sbarrier.arrive $0xFFFF  }
0x47: {  	_ =	shalt  }

</sc_bundles>
